<compile_context>
chip_gen: v7x
topology: tpu7x:2x2x1
jax: 0.10.2.dev20260603
libtpu: 0.0.44.dev20260713+nightly
codegen_flags: <defaults>
</compile_context>

<pallas_src>
import functools

import jax
import jax.numpy as jnp
from jax import lax
from jax.experimental import pallas as pl
from jax.experimental.pallas import tpu as pltpu
from jax.experimental.pallas import tpu_sc as plsc

N = 10000
E = 320000
D = 128

NC = 2
NS = 16
NW = NC * NS
EPT = E // NW
K = 125
NCH = EPT // K
NP = 10240
RPT = NP // NS
DEG_W = 16

_mesh = plsc.VectorSubcoreMesh(core_axis_name="c", subcore_axis_name="s")


@functools.partial(
    pl.kernel,
    out_type=jax.ShapeDtypeStruct((NC, NP, DEG_W), jnp.float32),
    mesh=_mesh,
    scratch_types=[
        pltpu.VMEM((NCH, K), jnp.int32),
        pltpu.VMEM((K, DEG_W), jnp.float32),
        pltpu.VMEM((128, DEG_W), jnp.float32),
        pltpu.VMEM_SHARED((NP, DEG_W), jnp.float32),
        pltpu.SemaphoreType.DMA,
    ],
)
def _deg_kernel(dst_hbm, out_hbm, dst_l, ones_l, zbuf, acc_sh, sem):
    c = lax.axis_index("c")
    s = lax.axis_index("s")
    wid = c * NS + s

    zero16 = jnp.zeros((16,), jnp.float32)
    e0 = jnp.where(lax.iota(jnp.int32, 16) == 0, 1.0, 0.0)

    def fill_ones(i, carry):
        ones_l[i, :] = e0
        return carry

    lax.fori_loop(0, K, fill_ones, 0)

    def fill_z(i, carry):
        zbuf[i, :] = zero16
        return carry

    lax.fori_loop(0, 128, fill_z, 0)

    def zero_acc(i, carry):
        pltpu.sync_copy(zbuf, acc_sh.at[pl.ds(s * RPT + i * 128, 128)])
        return carry

    lax.fori_loop(0, RPT // 128, zero_acc, 0)
    pltpu.sync_copy(dst_hbm.at[wid], dst_l)
    plsc.subcore_barrier()

    DB = 8

    def batch(b, carry):
        def fire(j, carry2):
            pltpu.async_copy(ones_l, acc_sh.at[dst_l.at[b * DB + j]], sem,
                             add=True)
            return carry2

        lax.fori_loop(0, DB, fire, 0)

        def drain(j, carry2):
            pltpu.make_async_copy(
                ones_l, acc_sh.at[dst_l.at[b * DB + j]], sem).wait()
            return carry2

        lax.fori_loop(0, DB, drain, 0)
        return carry

    lax.fori_loop(0, NCH // DB, batch, 0)
    plsc.subcore_barrier()

    pltpu.sync_copy(acc_sh.at[pl.ds(s * RPT, RPT)],
                    out_hbm.at[c, pl.ds(s * RPT, RPT)])


@functools.partial(
    pl.kernel,
    out_type=jax.ShapeDtypeStruct((NC, NP, D), jnp.float32),
    mesh=_mesh,
    scratch_types=[
        pltpu.VMEM((NCH // 2, K), jnp.int32),
        pltpu.VMEM((NCH // 2, K), jnp.int32),
        pltpu.VMEM((K, D), jnp.float32),
        pltpu.VMEM((K, D), jnp.float32),
        pltpu.VMEM((32, D), jnp.float32),
        pltpu.VMEM_SHARED((NP, D), jnp.float32),
        pltpu.SemaphoreType.DMA,
        pltpu.SemaphoreType.DMA,
    ],
)
def _edge_kernel(hp_hbm, src_hbm, dst_hbm, out_hbm,
                 src_l, dst_l, rows0, rows1, zbuf, acc_sh,
                 semg0, semg1):
    c = lax.axis_index("c")
    s = lax.axis_index("s")
    wid = c * NS + s

    zero16 = jnp.zeros((16,), jnp.float32)

    def fill_z(i, carry):
        def fill_lane(q, carry2):
            zbuf[i, pl.ds(q * 16, 16)] = zero16
            return carry2
        return lax.fori_loop(0, D // 16, fill_lane, carry)

    lax.fori_loop(0, 32, fill_z, 0)

    def zero_acc(i, carry):
        pltpu.sync_copy(zbuf, acc_sh.at[pl.ds(s * RPT + i * 32, 32)])
        return carry

    lax.fori_loop(0, RPT // 32, zero_acc, 0)

    plsc.subcore_barrier()

    NH = NCH // 2
    NPAIR = NH // 2

    def half_body(h, carry):
        pltpu.sync_copy(src_hbm.at[wid, pl.ds(h * NH, NH)], src_l)
        pltpu.sync_copy(dst_hbm.at[wid, pl.ds(h * NH, NH)], dst_l)
        pltpu.async_copy(hp_hbm.at[src_l.at[0]], rows0, semg0)
        pltpu.async_copy(hp_hbm.at[src_l.at[1]], rows1, semg1)

        def body(p, carry2):
            j0 = 2 * p
            j1 = j0 + 1
            pltpu.make_async_copy(hp_hbm.at[src_l.at[j0]], rows0, semg0).wait()
            pltpu.sync_copy(rows0, acc_sh.at[dst_l.at[j0]], add=True)
            pltpu.async_copy(hp_hbm.at[src_l.at[j0 + 2]], rows0, semg0)
            pltpu.make_async_copy(hp_hbm.at[src_l.at[j1]], rows1, semg1).wait()
            pltpu.sync_copy(rows1, acc_sh.at[dst_l.at[j1]], add=True)
            pltpu.async_copy(hp_hbm.at[src_l.at[j1 + 2]], rows1, semg1)
            return carry2

        lax.fori_loop(0, NPAIR - 1, body, 0)

        pltpu.make_async_copy(hp_hbm.at[src_l.at[NH - 2]], rows0, semg0).wait()
        pltpu.sync_copy(rows0, acc_sh.at[dst_l.at[NH - 2]], add=True)
        pltpu.make_async_copy(hp_hbm.at[src_l.at[NH - 1]], rows1, semg1).wait()
        pltpu.sync_copy(rows1, acc_sh.at[dst_l.at[NH - 1]], add=True)
        return carry

    lax.fori_loop(0, 2, half_body, 0)
    plsc.subcore_barrier()

    pltpu.sync_copy(acc_sh.at[pl.ds(s * RPT, RPT)],
                    out_hbm.at[c, pl.ds(s * RPT, RPT)])


def _mm_body(x_ref, w_ref, degp_ref, hp_ref):
    deg = jnp.sum(degp_ref[...], axis=(0, 2)) + 1.0
    dinv = lax.rsqrt(deg)
    h = jnp.dot(x_ref[...], w_ref[...], preferred_element_type=jnp.float32)
    hp_ref[...] = h * dinv[:, None]


def _bn_body(accp_ref, hp_ref, degp_ref, gamma_ref, beta_ref, y_ref,
             pre_s, sum_s, sumsq_s, scale_s, shift_s):
    p = pl.program_id(0)
    i = pl.program_id(1)

    @pl.when(p == 0)
    def _():
        deg = jnp.sum(degp_ref[...], axis=(0, 2)) + 1.0
        dinv = lax.rsqrt(deg)
        pre = (accp_ref[0] + accp_ref[1] + hp_ref[...]) * dinv[:, None]
        pre_s[i] = pre

        @pl.when(i == 0)
        def _():
            sum_s[...] = jnp.zeros_like(sum_s)
            sumsq_s[...] = jnp.zeros_like(sumsq_s)

        sum_s[...] += jnp.sum(pre, axis=0, keepdims=True)
        sumsq_s[...] += jnp.sum(pre * pre, axis=0, keepdims=True)
        y_ref[...] = pre

    @pl.when(p == 1)
    def _():
        @pl.when(i == 0)
        def _():
            mean = sum_s[...] / N
            var = sumsq_s[...] / N - mean * mean
            rstd = lax.rsqrt(var + 1e-5)
            scale_s[...] = rstd * gamma_ref[...]
            shift_s[...] = beta_ref[...] - mean * rstd * gamma_ref[...]

        y_ref[...] = jnp.maximum(pre_s[i] * scale_s[...] + shift_s[...], 0.0)


BR = 1000


def kernel(x, edge_index, W, gamma, beta):
    src = edge_index[0].astype(jnp.int32).reshape(NW, NCH, K)
    dst = edge_index[1].astype(jnp.int32).reshape(NW, NCH, K)

    degp = _deg_kernel(dst)

    hp = pl.pallas_call(
        _mm_body,
        grid=(N // BR,),
        in_specs=[
            pl.BlockSpec((BR, D), lambda i: (i, 0)),
            pl.BlockSpec((D, D), lambda i: (0, 0)),
            pl.BlockSpec((NC, BR, DEG_W), lambda i: (0, i, 0)),
        ],
        out_specs=pl.BlockSpec((BR, D), lambda i: (i, 0)),
        out_shape=jax.ShapeDtypeStruct((N, D), jnp.float32),
    )(x, W, degp)

    accp = _edge_kernel(hp, src, dst)

    y = pl.pallas_call(
        _bn_body,
        grid=(2, N // BR),
        in_specs=[
            pl.BlockSpec((NC, BR, D), lambda p, i: (0, i * (1 - p), 0)),
            pl.BlockSpec((BR, D), lambda p, i: (i * (1 - p), 0)),
            pl.BlockSpec((NC, BR, DEG_W), lambda p, i: (0, i * (1 - p), 0)),
            pl.BlockSpec((1, D), lambda p, i: (0, 0)),
            pl.BlockSpec((1, D), lambda p, i: (0, 0)),
        ],
        out_specs=pl.BlockSpec((BR, D), lambda p, i: (i * p, 0)),
        out_shape=jax.ShapeDtypeStruct((N, D), jnp.float32),
        scratch_shapes=[
            pltpu.VMEM((N // BR, BR, D), jnp.float32),
            pltpu.VMEM((1, D), jnp.float32),
            pltpu.VMEM((1, D), jnp.float32),
            pltpu.VMEM((1, D), jnp.float32),
            pltpu.VMEM((1, D), jnp.float32),
        ],
    )(accp, hp, degp, gamma[None, :], beta[None, :])
    return y

# --- scband reference (transcript-rebuilt; emitter-appended) ---
"""Pipeline reference for scband-gcnblock-11338713662112 (READ-ONLY COPY).

The authoritative reference and input builder live on the scoring server;
editing this copy changes nothing except your own understanding.
"""

import jax, jax.numpy as jnp
import numpy as np

N_NODES = 10000
N_EDGES = 320000
D_IN = 128
D_OUT = 128


def setup_inputs(seed: int = 0) -> dict:
    key = jax.random.key(seed)
    k1, k2, k3 = jax.random.split(key, 3)
    x = jax.random.normal(k1, (N_NODES, D_IN), dtype=jnp.float32)
    edge_index = jax.random.randint(k2, (2, N_EDGES), 0, N_NODES, dtype=jnp.int64)
    # GCNConv linear weight (bias=False): stored as [out, in] in torch; use [in, out] for x @ W
    W = jax.random.normal(k3, (D_IN, D_OUT), dtype=jnp.float32) * (1.0 / np.sqrt(D_IN))
    # BatchNorm1d affine params (default init)
    gamma = jnp.ones((D_OUT,), dtype=jnp.float32)
    beta = jnp.zeros((D_OUT,), dtype=jnp.float32)
    return {"x": x, "edge_index": edge_index, "W": W, "gamma": gamma, "beta": beta}


def reference(x, edge_index, W, gamma, beta):
    N = x.shape[0]
    src = edge_index[0]
    dst = edge_index[1]
    # GCNConv: add self-loops with weight 1.0 (improved=False; would be 2.0 if improved)
    loop = jnp.arange(N, dtype=edge_index.dtype)
    src_full = jnp.concatenate([src, loop])
    dst_full = jnp.concatenate([dst, loop])
    ew = jnp.ones((src_full.shape[0],), dtype=x.dtype)
    # symmetric normalization: D^{-1/2} A_hat D^{-1/2}, degree computed on target nodes
    deg = jnp.zeros((N,), dtype=x.dtype).at[dst_full].add(ew)
    deg_inv_sqrt = jnp.where(deg > 0, jax.lax.rsqrt(jnp.maximum(deg, 1e-12)), 0.0)
    norm = deg_inv_sqrt[src_full] * ew * deg_inv_sqrt[dst_full]
    # linear transform then propagate (gather from src, scatter-add to dst)
    h = x @ W
    msg = jnp.take(h, src_full, axis=0) * norm[:, None]
    out = jnp.zeros((N, h.shape[1]), dtype=x.dtype).at[dst_full].add(msg)
    # BatchNorm1d in training mode: batch statistics, biased variance, eps=1e-5
    mean = jnp.mean(out, axis=0)
    var = jnp.mean((out - mean) ** 2, axis=0)
    y = (out - mean) * jax.lax.rsqrt(var + 1e-5) * gamma + beta
    return jax.nn.relu(y)

if __name__ == "__main__":
    import jax
    _d = setup_inputs()
    print(jax.jit(kernel)(*tuple(_d.values())))

</pallas_src>

<mosaic_0001>
#map = affine_map<(d0, d1) -> (0, 0)>
#map1 = affine_map<(d0, d1) -> (0, 0, 0)>
module attributes {stable_mosaic.version = 14 : i64} {
  func.func @_edge_kernel(%arg0: i32, %arg1: i32, %arg2: memref<10000x128xf32, #tpu.memory_space<hbm>>, %arg3: memref<32x80x125xi32, #tpu.memory_space<hbm>>, %arg4: memref<32x80x125xi32, #tpu.memory_space<hbm>>, %arg5: memref<2x10240x128xf32, #tpu.memory_space<hbm>>, %arg6: memref<40x125xi32, #tpu.memory_space<vmem>>, %arg7: memref<40x125xi32, #tpu.memory_space<vmem>>, %arg8: memref<125x128xf32, #tpu.memory_space<vmem>>, %arg9: memref<125x128xf32, #tpu.memory_space<vmem>>, %arg10: memref<32x128xf32, #tpu.memory_space<vmem>>, %arg11: memref<10240x128xf32, #tpu.memory_space<vmem_shared>>, %arg12: memref<!tpu.dma_semaphore, #tpu.memory_space<semaphore_mem>>, %arg13: memref<!tpu.dma_semaphore, #tpu.memory_space<semaphore_mem>>) attributes {dimension_semantics = [#tpu.dimension_semantics<core_parallel>, #tpu.dimension_semantics<subcore_parallel>], iteration_bounds = array<i64: 2, 16>, scalar_prefetch = 0 : i64, scratch_operands = 8 : i64, tpu.core_type = #tpu.core_type<sc_vector_subcore>, window_params = [{transform_indices = #map}, {transform_indices = #map1}, {transform_indices = #map1}, {transform_indices = #map1}]} {
    %mul3A = arith.constant 16 : i32
    %mul3A_0 = arith.muli %arg0, %mul3A : i32
    %add3A = arith.addi %mul3A_0, %arg1 : i32
    %broadcast_in_dim3A = arith.constant 0.000000e+00 : f32
    %broadcast_in_dim3A_1 = vector.broadcast %broadcast_in_dim3A : f32 to vector<16xf32>
    %scan3A = arith.constant 0 : i32
    %scan3A_2 = arith.constant 0 : i32
    %scan3A_3 = arith.constant 32 : i32
    %scan3A_4 = arith.addi %scan3A_2, %scan3A_3 : i32
    %scan3A_5 = arith.constant 1 : i32
    scf.for %scan3A_24 = %scan3A_2 to %scan3A_4 step %scan3A_5  : i32 {
      %scan3A_25 = arith.constant 0 : i32
      %scan3A_26 = arith.constant 8 : i32
      %scan3A_27 = arith.addi %scan3A_25, %scan3A_26 : i32
      %scan3A_28 = arith.constant 1 : i32
      scf.for %scan3A_30 = %scan3A_25 to %scan3A_27 step %scan3A_28  : i32 {
        %mul3A_31 = arith.constant 16 : i32
        %mul3A_32 = arith.muli %scan3A_30, %mul3A_31 : i32
        %swap3A = arith.index_cast %scan3A_24 : i32 to index
        %swap3A_33 = arith.index_cast %mul3A_32 : i32 to index
        %swap3A_34 = tpu.vector_load %arg10[%swap3A, %swap3A_33] {strides = array<i32>} : memref<32x128xf32, #tpu.memory_space<vmem>>, vector<1x16xf32>,
        %swap3A_35 = vector.shape_cast %swap3A_34 : vector<1x16xf32> to vector<16xf32>
        %swap3A_36 = vector.shape_cast %broadcast_in_dim3A_1 : vector<16xf32> to vector<1x16xf32>
        tpu.vector_store %arg10[%swap3A, %swap3A_33], %swap3A_36 {strides = array<i32>} : memref<32x128xf32, #tpu.memory_space<vmem>>, vector<1x16xf32>,
      }
      %scan3A_29 = arith.constant 8 : i32
    }
    %scan3A_6 = arith.constant 32 : i32
    %scan3A_7 = arith.constant 0 : i32
    %scan3A_8 = arith.constant 0 : i32
    %scan3A_9 = arith.constant 20 : i32
    %scan3A_10 = arith.addi %scan3A_8, %scan3A_9 : i32
    %scan3A_11 = arith.constant 1 : i32
    scf.for %scan3A_24 = %scan3A_8 to %scan3A_10 step %scan3A_11  : i32 {
      %mul3A_25 = arith.constant 640 : i32
      %mul3A_26 = arith.muli %arg1, %mul3A_25 : i32
      %mul3A_27 = arith.constant 32 : i32
      %mul3A_28 = arith.muli %scan3A_24, %mul3A_27 : i32
      %add3A_29 = arith.addi %mul3A_26, %mul3A_28 : i32
      "tpu.region"() ({
        %run_scoped3A = tpu.sem_alloc : memref<!tpu.dma_semaphore, #tpu.memory_space<semaphore_mem>>
        %dma_start3A = arith.constant 0 : i32
        %dma_start3A_30 = tpu.memref_slice %arg11[%add3A_29, %dma_start3A] : memref<10240x128xf32, #tpu.memory_space<vmem_shared>> -> memref<32x128xf32, #tpu.memory_space<vmem_shared>>
        %dma_start3A_31 = arith.constant 0 : i32
        %dma_start3A_32 = tpu.memref_slice %arg11[%add3A_29, %dma_start3A_31] : memref<10240x128xf32, #tpu.memory_space<vmem_shared>> -> memref<32x128xf32, #tpu.memory_space<vmem_shared>>
        tpu.enqueue_dma source(%arg10 : memref<32x128xf32, #tpu.memory_space<vmem>>) target(%dma_start3A_32 : memref<32x128xf32, #tpu.memory_space<vmem_shared>>) target_semaphore(%run_scoped3A : memref<!tpu.dma_semaphore, #tpu.memory_space<semaphore_mem>>)
        %dma_wait3A = arith.constant 0 : i32
        %dma_wait3A_33 = tpu.memref_slice %arg11[%add3A_29, %dma_wait3A] : memref<10240x128xf32, #tpu.memory_space<vmem_shared>> -> memref<32x128xf32, #tpu.memory_space<vmem_shared>>
        %dma_wait3A_34 = arith.constant 0 : i32
        %dma_wait3A_35 = tpu.memref_slice %arg11[%add3A_29, %dma_wait3A_34] : memref<10240x128xf32, #tpu.memory_space<vmem_shared>> -> memref<32x128xf32, #tpu.memory_space<vmem_shared>>
        tpu.wait_dma2 semaphore(%run_scoped3A : memref<!tpu.dma_semaphore, #tpu.memory_space<semaphore_mem>>) src(%arg10 : memref<32x128xf32, #tpu.memory_space<vmem>>) dst(%dma_wait3A_35 : memref<32x128xf32, #tpu.memory_space<vmem_shared>>)
        tpu.yield
      }) : () -> ()
    }
    %scan3A_12 = arith.constant 20 : i32
    %barrier3A = arith.constant 0 : index
    tpu.barrier barrier_id(%barrier3A)
    %scan3A_13 = arith.constant 0 : i32
    %scan3A_14 = arith.constant 0 : i32
    %scan3A_15 = arith.constant 2 : i32
    %scan3A_16 = arith.addi %scan3A_14, %scan3A_15 : i32
    %scan3A_17 = arith.constant 1 : i32
    scf.for %scan3A_24 = %scan3A_14 to %scan3A_16 step %scan3A_17  : i32 {
      %mul3A_25 = arith.constant 40 : i32
      %mul3A_26 = arith.muli %scan3A_24, %mul3A_25 : i32
      "tpu.region"() ({
        %run_scoped3A_62 = tpu.sem_alloc : memref<!tpu.dma_semaphore, #tpu.memory_space<semaphore_mem>>
        %dma_start3A_63 = arith.constant 0 : i32
        %dma_start3A_64 = tpu.memref_slice %arg3[%add3A, %mul3A_26, %dma_start3A_63] : memref<32x80x125xi32, #tpu.memory_space<hbm>> -> memref<1x40x125xi32, #tpu.memory_space<hbm>>
        %dma_start3A_65 = tpu.memref_squeeze %dma_start3A_64 : memref<1x40x125xi32, #tpu.memory_space<hbm>> -> memref<40x125xi32, #tpu.memory_space<hbm>>
        %dma_start3A_66 = arith.constant 0 : i32
        %dma_start3A_67 = tpu.memref_slice %arg3[%add3A, %mul3A_26, %dma_start3A_66] : memref<32x80x125xi32, #tpu.memory_space<hbm>> -> memref<1x40x125xi32, #tpu.memory_space<hbm>>
        %dma_start3A_68 = tpu.memref_squeeze %dma_start3A_67 : memref<1x40x125xi32, #tpu.memory_space<hbm>> -> memref<40x125xi32, #tpu.memory_space<hbm>>
        tpu.enqueue_dma source(%dma_start3A_68 : memref<40x125xi32, #tpu.memory_space<hbm>>) target(%arg6 : memref<40x125xi32, #tpu.memory_space<vmem>>) target_semaphore(%run_scoped3A_62 : memref<!tpu.dma_semaphore, #tpu.memory_space<semaphore_mem>>)
        %dma_wait3A_69 = arith.constant 0 : i32
        %dma_wait3A_70 = tpu.memref_slice %arg3[%add3A, %mul3A_26, %dma_wait3A_69] : memref<32x80x125xi32, #tpu.memory_space<hbm>> -> memref<1x40x125xi32, #tpu.memory_space<hbm>>
        %dma_wait3A_71 = tpu.memref_squeeze %dma_wait3A_70 : memref<1x40x125xi32, #tpu.memory_space<hbm>> -> memref<40x125xi32, #tpu.memory_space<hbm>>
        %dma_wait3A_72 = arith.constant 0 : i32
        %dma_wait3A_73 = tpu.memref_slice %arg3[%add3A, %mul3A_26, %dma_wait3A_72] : memref<32x80x125xi32, #tpu.memory_space<hbm>> -> memref<1x40x125xi32, #tpu.memory_space<hbm>>
        %dma_wait3A_74 = tpu.memref_squeeze %dma_wait3A_73 : memref<1x40x125xi32, #tpu.memory_space<hbm>> -> memref<40x125xi32, #tpu.memory_space<hbm>>
        tpu.wait_dma2 semaphore(%run_scoped3A_62 : memref<!tpu.dma_semaphore, #tpu.memory_space<semaphore_mem>>) src(%dma_wait3A_74 : memref<40x125xi32, #tpu.memory_space<hbm>>) dst(%arg6 : memref<40x125xi32, #tpu.memory_space<vmem>>)
        tpu.yield
      }) : () -> ()
      %mul3A_27 = arith.constant 40 : i32
      %mul3A_28 = arith.muli %scan3A_24, %mul3A_27 : i32
      "tpu.region"() ({
        %run_scoped3A_62 = tpu.sem_alloc : memref<!tpu.dma_semaphore, #tpu.memory_space<semaphore_mem>>
        %dma_start3A_63 = arith.constant 0 : i32
        %dma_start3A_64 = tpu.memref_slice %arg4[%add3A, %mul3A_28, %dma_start3A_63] : memref<32x80x125xi32, #tpu.memory_space<hbm>> -> memref<1x40x125xi32, #tpu.memory_space<hbm>>
        %dma_start3A_65 = tpu.memref_squeeze %dma_start3A_64 : memref<1x40x125xi32, #tpu.memory_space<hbm>> -> memref<40x125xi32, #tpu.memory_space<hbm>>
        %dma_start3A_66 = arith.constant 0 : i32
        %dma_start3A_67 = tpu.memref_slice %arg4[%add3A, %mul3A_28, %dma_start3A_66] : memref<32x80x125xi32, #tpu.memory_space<hbm>> -> memref<1x40x125xi32, #tpu.memory_space<hbm>>
        %dma_start3A_68 = tpu.memref_squeeze %dma_start3A_67 : memref<1x40x125xi32, #tpu.memory_space<hbm>> -> memref<40x125xi32, #tpu.memory_space<hbm>>
        tpu.enqueue_dma source(%dma_start3A_68 : memref<40x125xi32, #tpu.memory_space<hbm>>) target(%arg7 : memref<40x125xi32, #tpu.memory_space<vmem>>) target_semaphore(%run_scoped3A_62 : memref<!tpu.dma_semaphore, #tpu.memory_space<semaphore_mem>>)
        %dma_wait3A_69 = arith.constant 0 : i32
        %dma_wait3A_70 = tpu.memref_slice %arg4[%add3A, %mul3A_28, %dma_wait3A_69] : memref<32x80x125xi32, #tpu.memory_space<hbm>> -> memref<1x40x125xi32, #tpu.memory_space<hbm>>
        %dma_wait3A_71 = tpu.memref_squeeze %dma_wait3A_70 : memref<1x40x125xi32, #tpu.memory_space<hbm>> -> memref<40x125xi32, #tpu.memory_space<hbm>>
        %dma_wait3A_72 = arith.constant 0 : i32
        %dma_wait3A_73 = tpu.memref_slice %arg4[%add3A, %mul3A_28, %dma_wait3A_72] : memref<32x80x125xi32, #tpu.memory_space<hbm>> -> memref<1x40x125xi32, #tpu.memory_space<hbm>>
        %dma_wait3A_74 = tpu.memref_squeeze %dma_wait3A_73 : memref<1x40x125xi32, #tpu.memory_space<hbm>> -> memref<40x125xi32, #tpu.memory_space<hbm>>
        tpu.wait_dma2 semaphore(%run_scoped3A_62 : memref<!tpu.dma_semaphore, #tpu.memory_space<semaphore_mem>>) src(%dma_wait3A_74 : memref<40x125xi32, #tpu.memory_space<hbm>>) dst(%arg7 : memref<40x125xi32, #tpu.memory_space<vmem>>)
        tpu.yield
      }) : () -> ()
      %dma_start3A = arith.constant 0 : i32
      %dma_start3A_29 = arith.constant 0 : i32
      %dma_start3A_30 = tpu.memref_slice %arg6[%dma_start3A, %dma_start3A_29] : memref<40x125xi32, #tpu.memory_space<vmem>> -> memref<1x125xi32, #tpu.memory_space<vmem>>
      %dma_start3A_31 = tpu.memref_squeeze %dma_start3A_30 : memref<1x125xi32, #tpu.memory_space<vmem>> -> memref<125xi32, #tpu.memory_space<vmem>>
      %dma_start3A_32 = arith.constant 0 : i32
      %dma_start3A_33 = arith.constant 0 : i32
      %dma_start3A_34 = tpu.memref_slice %arg2[%dma_start3A_32, %dma_start3A_33] : memref<10000x128xf32, #tpu.memory_space<hbm>> -> memref<10000x128xf32, #tpu.memory_space<hbm>>
      tpu.enqueue_indirect_dma source(%dma_start3A_34 : memref<10000x128xf32, #tpu.memory_space<hbm>>) target(%arg8 : memref<125x128xf32, #tpu.memory_space<vmem>>) offsets(%dma_start3A_31 : memref<125xi32, #tpu.memory_space<vmem>>) semaphore(%arg12 : memref<!tpu.dma_semaphore, #tpu.memory_space<semaphore_mem>>)
      %dma_start3A_35 = arith.constant 1 : i32
      %dma_start3A_36 = arith.constant 0 : i32
      %dma_start3A_37 = tpu.memref_slice %arg6[%dma_start3A_35, %dma_start3A_36] : memref<40x125xi32, #tpu.memory_space<vmem>> -> memref<1x125xi32, #tpu.memory_space<vmem>>
      %dma_start3A_38 = tpu.memref_squeeze %dma_start3A_37 : memref<1x125xi32, #tpu.memory_space<vmem>> -> memref<125xi32, #tpu.memory_space<vmem>>
      %dma_start3A_39 = arith.constant 0 : i32
      %dma_start3A_40 = arith.constant 0 : i32
      %dma_start3A_41 = tpu.memref_slice %arg2[%dma_start3A_39, %dma_start3A_40] : memref<10000x128xf32, #tpu.memory_space<hbm>> -> memref<10000x128xf32, #tpu.memory_space<hbm>>
      tpu.enqueue_indirect_dma source(%dma_start3A_41 : memref<10000x128xf32, #tpu.memory_space<hbm>>) target(%arg9 : memref<125x128xf32, #tpu.memory_space<vmem>>) offsets(%dma_start3A_38 : memref<125xi32, #tpu.memory_space<vmem>>) semaphore(%arg13 : memref<!tpu.dma_semaphore, #tpu.memory_space<semaphore_mem>>)
      %scan3A_42 = arith.constant 0 : i32
      %scan3A_43 = arith.constant 0 : i32
      %scan3A_44 = arith.constant 19 : i32
      %scan3A_45 = arith.addi %scan3A_43, %scan3A_44 : i32
      %scan3A_46 = arith.constant 1 : i32
      scf.for %scan3A_62 = %scan3A_43 to %scan3A_45 step %scan3A_46  : i32 {
        %mul3A_63 = arith.constant 2 : i32
        %mul3A_64 = arith.muli %mul3A_63, %scan3A_62 : i32
        %add3A_65 = arith.constant 1 : i32
        %add3A_66 = arith.addi %mul3A_64, %add3A_65 : i32
        %dma_wait3A_67 = arith.constant 0 : i32
        %dma_wait3A_68 = tpu.memref_slice %arg6[%mul3A_64, %dma_wait3A_67] : memref<40x125xi32, #tpu.memory_space<vmem>> -> memref<1x125xi32, #tpu.memory_space<vmem>>
        %dma_wait3A_69 = tpu.memref_squeeze %dma_wait3A_68 : memref<1x125xi32, #tpu.memory_space<vmem>> -> memref<125xi32, #tpu.memory_space<vmem>>
        %dma_wait3A_70 = arith.constant 0 : i32
        %dma_wait3A_71 = arith.constant 0 : i32
        %dma_wait3A_72 = tpu.memref_slice %arg2[%dma_wait3A_70, %dma_wait3A_71] : memref<10000x128xf32, #tpu.memory_space<hbm>> -> memref<10000x128xf32, #tpu.memory_space<hbm>>
        tpu.wait_indirect_dma semaphore(%arg12 : memref<!tpu.dma_semaphore, #tpu.memory_space<semaphore_mem>>) src(%dma_wait3A_72 : memref<10000x128xf32, #tpu.memory_space<hbm>>) dst(%arg8 : memref<125x128xf32, #tpu.memory_space<vmem>>)
        "tpu.region"() ({
          %run_scoped3A_95 = tpu.sem_alloc : memref<!tpu.dma_semaphore, #tpu.memory_space<semaphore_mem>>
          %dma_start3A_96 = arith.constant 0 : i32
          %dma_start3A_97 = tpu.memref_slice %arg7[%mul3A_64, %dma_start3A_96] : memref<40x125xi32, #tpu.memory_space<vmem>> -> memref<1x125xi32, #tpu.memory_space<vmem>>
          %dma_start3A_98 = tpu.memref_squeeze %dma_start3A_97 : memref<1x125xi32, #tpu.memory_space<vmem>> -> memref<125xi32, #tpu.memory_space<vmem>>
          %dma_start3A_99 = arith.constant 0 : i32
          %dma_start3A_100 = arith.constant 0 : i32
          %dma_start3A_101 = tpu.memref_slice %arg11[%dma_start3A_99, %dma_start3A_100] : memref<10240x128xf32, #tpu.memory_space<vmem_shared>> -> memref<10240x128xf32, #tpu.memory_space<vmem_shared>>
          tpu.enqueue_indirect_dma source(%arg8 : memref<125x128xf32, #tpu.memory_space<vmem>>) target(%dma_start3A_101 : memref<10240x128xf32, #tpu.memory_space<vmem_shared>>) offsets(%dma_start3A_98 : memref<125xi32, #tpu.memory_space<vmem>>) semaphore(%run_scoped3A_95 : memref<!tpu.dma_semaphore, #tpu.memory_space<semaphore_mem>>) {add = true}
          %dma_wait3A_102 = arith.constant 0 : i32
          %dma_wait3A_103 = tpu.memref_slice %arg7[%mul3A_64, %dma_wait3A_102] : memref<40x125xi32, #tpu.memory_space<vmem>> -> memref<1x125xi32, #tpu.memory_space<vmem>>
          %dma_wait3A_104 = tpu.memref_squeeze %dma_wait3A_103 : memref<1x125xi32, #tpu.memory_space<vmem>> -> memref<125xi32, #tpu.memory_space<vmem>>
          %dma_wait3A_105 = arith.constant 0 : i32
          %dma_wait3A_106 = arith.constant 0 : i32
          %dma_wait3A_107 = tpu.memref_slice %arg11[%dma_wait3A_105, %dma_wait3A_106] : memref<10240x128xf32, #tpu.memory_space<vmem_shared>> -> memref<10240x128xf32, #tpu.memory_space<vmem_shared>>
          tpu.wait_indirect_dma semaphore(%run_scoped3A_95 : memref<!tpu.dma_semaphore, #tpu.memory_space<semaphore_mem>>) src(%arg8 : memref<125x128xf32, #tpu.memory_space<vmem>>) dst(%dma_wait3A_107 : memref<10240x128xf32, #tpu.memory_space<vmem_shared>>)
          tpu.yield
        }) : () -> ()
        %add3A_73 = arith.constant 2 : i32
        %add3A_74 = arith.addi %mul3A_64, %add3A_73 : i32
        %dma_start3A_75 = arith.constant 0 : i32
        %dma_start3A_76 = tpu.memref_slice %arg6[%add3A_74, %dma_start3A_75] : memref<40x125xi32, #tpu.memory_space<vmem>> -> memref<1x125xi32, #tpu.memory_space<vmem>>
        %dma_start3A_77 = tpu.memref_squeeze %dma_start3A_76 : memref<1x125xi32, #tpu.memory_space<vmem>> -> memref<125xi32, #tpu.memory_space<vmem>>
        %dma_start3A_78 = arith.constant 0 : i32
        %dma_start3A_79 = arith.constant 0 : i32
        %dma_start3A_80 = tpu.memref_slice %arg2[%dma_start3A_78, %dma_start3A_79] : memref<10000x128xf32, #tpu.memory_space<hbm>> -> memref<10000x128xf32, #tpu.memory_space<hbm>>
        tpu.enqueue_indirect_dma source(%dma_start3A_80 : memref<10000x128xf32, #tpu.memory_space<hbm>>) target(%arg8 : memref<125x128xf32, #tpu.memory_space<vmem>>) offsets(%dma_start3A_77 : memref<125xi32, #tpu.memory_space<vmem>>) semaphore(%arg12 : memref<!tpu.dma_semaphore, #tpu.memory_space<semaphore_mem>>)
        %dma_wait3A_81 = arith.constant 0 : i32
        %dma_wait3A_82 = tpu.memref_slice %arg6[%add3A_66, %dma_wait3A_81] : memref<40x125xi32, #tpu.memory_space<vmem>> -> memref<1x125xi32, #tpu.memory_space<vmem>>
        %dma_wait3A_83 = tpu.memref_squeeze %dma_wait3A_82 : memref<1x125xi32, #tpu.memory_space<vmem>> -> memref<125xi32, #tpu.memory_space<vmem>>
        %dma_wait3A_84 = arith.constant 0 : i32
        %dma_wait3A_85 = arith.constant 0 : i32
        %dma_wait3A_86 = tpu.memref_slice %arg2[%dma_wait3A_84, %dma_wait3A_85] : memref<10000x128xf32, #tpu.memory_space<hbm>> -> memref<10000x128xf32, #tpu.memory_space<hbm>>
        tpu.wait_indirect_dma semaphore(%arg13 : memref<!tpu.dma_semaphore, #tpu.memory_space<semaphore_mem>>) src(%dma_wait3A_86 : memref<10000x128xf32, #tpu.memory_space<hbm>>) dst(%arg9 : memref<125x128xf32, #tpu.memory_space<vmem>>)
        "tpu.region"() ({
          %run_scoped3A_95 = tpu.sem_alloc : memref<!tpu.dma_semaphore, #tpu.memory_space<semaphore_mem>>
          %dma_start3A_96 = arith.constant 0 : i32
          %dma_start3A_97 = tpu.memref_slice %arg7[%add3A_66, %dma_start3A_96] : memref<40x125xi32, #tpu.memory_space<vmem>> -> memref<1x125xi32, #tpu.memory_space<vmem>>
          %dma_start3A_98 = tpu.memref_squeeze %dma_start3A_97 : memref<1x125xi32, #tpu.memory_space<vmem>> -> memref<125xi32, #tpu.memory_space<vmem>>
          %dma_start3A_99 = arith.constant 0 : i32
          %dma_start3A_100 = arith.constant 0 : i32
          %dma_start3A_101 = tpu.memref_slice %arg11[%dma_start3A_99, %dma_start3A_100] : memref<10240x128xf32, #tpu.memory_space<vmem_shared>> -> memref<10240x128xf32, #tpu.memory_space<vmem_shared>>
          tpu.enqueue_indirect_dma source(%arg9 : memref<125x128xf32, #tpu.memory_space<vmem>>) target(%dma_start3A_101 : memref<10240x128xf32, #tpu.memory_space<vmem_shared>>) offsets(%dma_start3A_98 : memref<125xi32, #tpu.memory_space<vmem>>) semaphore(%run_scoped3A_95 : memref<!tpu.dma_semaphore, #tpu.memory_space<semaphore_mem>>) {add = true}
          %dma_wait3A_102 = arith.constant 0 : i32
          %dma_wait3A_103 = tpu.memref_slice %arg7[%add3A_66, %dma_wait3A_102] : memref<40x125xi32, #tpu.memory_space<vmem>> -> memref<1x125xi32, #tpu.memory_space<vmem>>
          %dma_wait3A_104 = tpu.memref_squeeze %dma_wait3A_103 : memref<1x125xi32, #tpu.memory_space<vmem>> -> memref<125xi32, #tpu.memory_space<vmem>>
          %dma_wait3A_105 = arith.constant 0 : i32
          %dma_wait3A_106 = arith.constant 0 : i32
          %dma_wait3A_107 = tpu.memref_slice %arg11[%dma_wait3A_105, %dma_wait3A_106] : memref<10240x128xf32, #tpu.memory_space<vmem_shared>> -> memref<10240x128xf32, #tpu.memory_space<vmem_shared>>
          tpu.wait_indirect_dma semaphore(%run_scoped3A_95 : memref<!tpu.dma_semaphore, #tpu.memory_space<semaphore_mem>>) src(%arg9 : memref<125x128xf32, #tpu.memory_space<vmem>>) dst(%dma_wait3A_107 : memref<10240x128xf32, #tpu.memory_space<vmem_shared>>)
          tpu.yield
        }) : () -> ()
        %add3A_87 = arith.constant 2 : i32
        %add3A_88 = arith.addi %add3A_66, %add3A_87 : i32
        %dma_start3A_89 = arith.constant 0 : i32
        %dma_start3A_90 = tpu.memref_slice %arg6[%add3A_88, %dma_start3A_89] : memref<40x125xi32, #tpu.memory_space<vmem>> -> memref<1x125xi32, #tpu.memory_space<vmem>>
        %dma_start3A_91 = tpu.memref_squeeze %dma_start3A_90 : memref<1x125xi32, #tpu.memory_space<vmem>> -> memref<125xi32, #tpu.memory_space<vmem>>
        %dma_start3A_92 = arith.constant 0 : i32
        %dma_start3A_93 = arith.constant 0 : i32
        %dma_start3A_94 = tpu.memref_slice %arg2[%dma_start3A_92, %dma_start3A_93] : memref<10000x128xf32, #tpu.memory_space<hbm>> -> memref<10000x128xf32, #tpu.memory_space<hbm>>
        tpu.enqueue_indirect_dma source(%dma_start3A_94 : memref<10000x128xf32, #tpu.memory_space<hbm>>) target(%arg9 : memref<125x128xf32, #tpu.memory_space<vmem>>) offsets(%dma_start3A_91 : memref<125xi32, #tpu.memory_space<vmem>>) semaphore(%arg13 : memref<!tpu.dma_semaphore, #tpu.memory_space<semaphore_mem>>)
      }
      %scan3A_47 = arith.constant 19 : i32
      %dma_wait3A = arith.constant 38 : i32
      %dma_wait3A_48 = arith.constant 0 : i32
      %dma_wait3A_49 = tpu.memref_slice %arg6[%dma_wait3A, %dma_wait3A_48] : memref<40x125xi32, #tpu.memory_space<vmem>> -> memref<1x125xi32, #tpu.memory_space<vmem>>
      %dma_wait3A_50 = tpu.memref_squeeze %dma_wait3A_49 : memref<1x125xi32, #tpu.memory_space<vmem>> -> memref<125xi32, #tpu.memory_space<vmem>>
      %dma_wait3A_51 = arith.constant 0 : i32
      %dma_wait3A_52 = arith.constant 0 : i32
      %dma_wait3A_53 = tpu.memref_slice %arg2[%dma_wait3A_51, %dma_wait3A_52] : memref<10000x128xf32, #tpu.memory_space<hbm>> -> memref<10000x128xf32, #tpu.memory_space<hbm>>
      tpu.wait_indirect_dma semaphore(%arg12 : memref<!tpu.dma_semaphore, #tpu.memory_space<semaphore_mem>>) src(%dma_wait3A_53 : memref<10000x128xf32, #tpu.memory_space<hbm>>) dst(%arg8 : memref<125x128xf32, #tpu.memory_space<vmem>>)
      %run_scoped3A = arith.constant 38 : i32
      "tpu.region"() ({
        %run_scoped3A_62 = tpu.sem_alloc : memref<!tpu.dma_semaphore, #tpu.memory_space<semaphore_mem>>
        %dma_start3A_63 = arith.constant 0 : i32
        %dma_start3A_64 = tpu.memref_slice %arg7[%run_scoped3A, %dma_start3A_63] : memref<40x125xi32, #tpu.memory_space<vmem>> -> memref<1x125xi32, #tpu.memory_space<vmem>>
        %dma_start3A_65 = tpu.memref_squeeze %dma_start3A_64 : memref<1x125xi32, #tpu.memory_space<vmem>> -> memref<125xi32, #tpu.memory_space<vmem>>
        %dma_start3A_66 = arith.constant 0 : i32
        %dma_start3A_67 = arith.constant 0 : i32
        %dma_start3A_68 = tpu.memref_slice %arg11[%dma_start3A_66, %dma_start3A_67] : memref<10240x128xf32, #tpu.memory_space<vmem_shared>> -> memref<10240x128xf32, #tpu.memory_space<vmem_shared>>
        tpu.enqueue_indirect_dma source(%arg8 : memref<125x128xf32, #tpu.memory_space<vmem>>) target(%dma_start3A_68 : memref<10240x128xf32, #tpu.memory_space<vmem_shared>>) offsets(%dma_start3A_65 : memref<125xi32, #tpu.memory_space<vmem>>) semaphore(%run_scoped3A_62 : memref<!tpu.dma_semaphore, #tpu.memory_space<semaphore_mem>>) {add = true}
        %dma_wait3A_69 = arith.constant 0 : i32
        %dma_wait3A_70 = tpu.memref_slice %arg7[%run_scoped3A, %dma_wait3A_69] : memref<40x125xi32, #tpu.memory_space<vmem>> -> memref<1x125xi32, #tpu.memory_space<vmem>>
        %dma_wait3A_71 = tpu.memref_squeeze %dma_wait3A_70 : memref<1x125xi32, #tpu.memory_space<vmem>> -> memref<125xi32, #tpu.memory_space<vmem>>
        %dma_wait3A_72 = arith.constant 0 : i32
        %dma_wait3A_73 = arith.constant 0 : i32
        %dma_wait3A_74 = tpu.memref_slice %arg11[%dma_wait3A_72, %dma_wait3A_73] : memref<10240x128xf32, #tpu.memory_space<vmem_shared>> -> memref<10240x128xf32, #tpu.memory_space<vmem_shared>>
        tpu.wait_indirect_dma semaphore(%run_scoped3A_62 : memref<!tpu.dma_semaphore, #tpu.memory_space<semaphore_mem>>) src(%arg8 : memref<125x128xf32, #tpu.memory_space<vmem>>) dst(%dma_wait3A_74 : memref<10240x128xf32, #tpu.memory_space<vmem_shared>>)
        tpu.yield
      }) : () -> ()
      %dma_wait3A_54 = arith.constant 39 : i32
      %dma_wait3A_55 = arith.constant 0 : i32
      %dma_wait3A_56 = tpu.memref_slice %arg6[%dma_wait3A_54, %dma_wait3A_55] : memref<40x125xi32, #tpu.memory_space<vmem>> -> memref<1x125xi32, #tpu.memory_space<vmem>>
      %dma_wait3A_57 = tpu.memref_squeeze %dma_wait3A_56 : memref<1x125xi32, #tpu.memory_space<vmem>> -> memref<125xi32, #tpu.memory_space<vmem>>
      %dma_wait3A_58 = arith.constant 0 : i32
      %dma_wait3A_59 = arith.constant 0 : i32
      %dma_wait3A_60 = tpu.memref_slice %arg2[%dma_wait3A_58, %dma_wait3A_59] : memref<10000x128xf32, #tpu.memory_space<hbm>> -> memref<10000x128xf32, #tpu.memory_space<hbm>>
      tpu.wait_indirect_dma semaphore(%arg13 : memref<!tpu.dma_semaphore, #tpu.memory_space<semaphore_mem>>) src(%dma_wait3A_60 : memref<10000x128xf32, #tpu.memory_space<hbm>>) dst(%arg9 : memref<125x128xf32, #tpu.memory_space<vmem>>)
      %run_scoped3A_61 = arith.constant 39 : i32
      "tpu.region"() ({
        %run_scoped3A_62 = tpu.sem_alloc : memref<!tpu.dma_semaphore, #tpu.memory_space<semaphore_mem>>
        %dma_start3A_63 = arith.constant 0 : i32
        %dma_start3A_64 = tpu.memref_slice %arg7[%run_scoped3A_61, %dma_start3A_63] : memref<40x125xi32, #tpu.memory_space<vmem>> -> memref<1x125xi32, #tpu.memory_space<vmem>>
        %dma_start3A_65 = tpu.memref_squeeze %dma_start3A_64 : memref<1x125xi32, #tpu.memory_space<vmem>> -> memref<125xi32, #tpu.memory_space<vmem>>
        %dma_start3A_66 = arith.constant 0 : i32
        %dma_start3A_67 = arith.constant 0 : i32
        %dma_start3A_68 = tpu.memref_slice %arg11[%dma_start3A_66, %dma_start3A_67] : memref<10240x128xf32, #tpu.memory_space<vmem_shared>> -> memref<10240x128xf32, #tpu.memory_space<vmem_shared>>
        tpu.enqueue_indirect_dma source(%arg9 : memref<125x128xf32, #tpu.memory_space<vmem>>) target(%dma_start3A_68 : memref<10240x128xf32, #tpu.memory_space<vmem_shared>>) offsets(%dma_start3A_65 : memref<125xi32, #tpu.memory_space<vmem>>) semaphore(%run_scoped3A_62 : memref<!tpu.dma_semaphore, #tpu.memory_space<semaphore_mem>>) {add = true}
        %dma_wait3A_69 = arith.constant 0 : i32
        %dma_wait3A_70 = tpu.memref_slice %arg7[%run_scoped3A_61, %dma_wait3A_69] : memref<40x125xi32, #tpu.memory_space<vmem>> -> memref<1x125xi32, #tpu.memory_space<vmem>>
        %dma_wait3A_71 = tpu.memref_squeeze %dma_wait3A_70 : memref<1x125xi32, #tpu.memory_space<vmem>> -> memref<125xi32, #tpu.memory_space<vmem>>
        %dma_wait3A_72 = arith.constant 0 : i32
        %dma_wait3A_73 = arith.constant 0 : i32
        %dma_wait3A_74 = tpu.memref_slice %arg11[%dma_wait3A_72, %dma_wait3A_73] : memref<10240x128xf32, #tpu.memory_space<vmem_shared>> -> memref<10240x128xf32, #tpu.memory_space<vmem_shared>>
        tpu.wait_indirect_dma semaphore(%run_scoped3A_62 : memref<!tpu.dma_semaphore, #tpu.memory_space<semaphore_mem>>) src(%arg9 : memref<125x128xf32, #tpu.memory_space<vmem>>) dst(%dma_wait3A_74 : memref<10240x128xf32, #tpu.memory_space<vmem_shared>>)
        tpu.yield
      }) : () -> ()
    }
    %scan3A_18 = arith.constant 2 : i32
    %barrier3A_19 = arith.constant 0 : index
    tpu.barrier barrier_id(%barrier3A_19)
    %mul3A_20 = arith.constant 640 : i32
    %mul3A_21 = arith.muli %arg1, %mul3A_20 : i32
    %mul3A_22 = arith.constant 640 : i32
    %mul3A_23 = arith.muli %arg1, %mul3A_22 : i32
    "tpu.region"() ({
      %run_scoped3A = tpu.sem_alloc : memref<!tpu.dma_semaphore, #tpu.memory_space<semaphore_mem>>
      %dma_start3A = arith.constant 0 : i32
      %dma_start3A_24 = tpu.memref_slice %arg5[%arg0, %mul3A_23, %dma_start3A] : memref<2x10240x128xf32, #tpu.memory_space<hbm>> -> memref<1x640x128xf32, #tpu.memory_space<hbm>>
      %dma_start3A_25 = tpu.memref_squeeze %dma_start3A_24 : memref<1x640x128xf32, #tpu.memory_space<hbm>> -> memref<640x128xf32, #tpu.memory_space<hbm>>
      %dma_start3A_26 = arith.constant 0 : i32
      %dma_start3A_27 = tpu.memref_slice %arg11[%mul3A_21, %dma_start3A_26] : memref<10240x128xf32, #tpu.memory_space<vmem_shared>> -> memref<640x128xf32, #tpu.memory_space<vmem_shared>>
      tpu.enqueue_dma source(%dma_start3A_27 : memref<640x128xf32, #tpu.memory_space<vmem_shared>>) target(%dma_start3A_25 : memref<640x128xf32, #tpu.memory_space<hbm>>) target_semaphore(%run_scoped3A : memref<!tpu.dma_semaphore, #tpu.memory_space<semaphore_mem>>)
      %dma_wait3A = arith.constant 0 : i32
      %dma_wait3A_28 = tpu.memref_slice %arg5[%arg0, %mul3A_23, %dma_wait3A] : memref<2x10240x128xf32, #tpu.memory_space<hbm>> -> memref<1x640x128xf32, #tpu.memory_space<hbm>>
      %dma_wait3A_29 = tpu.memref_squeeze %dma_wait3A_28 : memref<1x640x128xf32, #tpu.memory_space<hbm>> -> memref<640x128xf32, #tpu.memory_space<hbm>>
      %dma_wait3A_30 = arith.constant 0 : i32
      %dma_wait3A_31 = tpu.memref_slice %arg11[%mul3A_21, %dma_wait3A_30] : memref<10240x128xf32, #tpu.memory_space<vmem_shared>> -> memref<640x128xf32, #tpu.memory_space<vmem_shared>>
      tpu.wait_dma2 semaphore(%run_scoped3A : memref<!tpu.dma_semaphore, #tpu.memory_space<semaphore_mem>>) src(%dma_wait3A_31 : memref<640x128xf32, #tpu.memory_space<vmem_shared>>) dst(%dma_wait3A_29 : memref<640x128xf32, #tpu.memory_space<hbm>>)
      tpu.yield
    }) : () -> ()
    return
  }
}

#map = affine_map<(d0, d1) -> (0, 0, 0)>
module attributes {stable_mosaic.version = 14 : i64} {
  func.func @_deg_kernel(%arg0: i32, %arg1: i32, %arg2: memref<32x80x125xi32, #tpu.memory_space<hbm>>, %arg3: memref<2x10240x16xf32, #tpu.memory_space<hbm>>, %arg4: memref<80x125xi32, #tpu.memory_space<vmem>>, %arg5: memref<125x16xf32, #tpu.memory_space<vmem>>, %arg6: memref<128x16xf32, #tpu.memory_space<vmem>>, %arg7: memref<10240x16xf32, #tpu.memory_space<vmem_shared>>, %arg8: memref<!tpu.dma_semaphore, #tpu.memory_space<semaphore_mem>>) attributes {dimension_semantics = [#tpu.dimension_semantics<core_parallel>, #tpu.dimension_semantics<subcore_parallel>], iteration_bounds = array<i64: 2, 16>, scalar_prefetch = 0 : i64, scratch_operands = 5 : i64, tpu.core_type = #tpu.core_type<sc_vector_subcore>, window_params = [{transform_indices = #map}, {transform_indices = #map}]} {
    %mul3A = arith.constant 16 : i32
    %mul3A_0 = arith.muli %arg0, %mul3A : i32
    %add3A = arith.addi %mul3A_0, %arg1 : i32
    %broadcast_in_dim3A = arith.constant 0.000000e+00 : f32
    %broadcast_in_dim3A_1 = vector.broadcast %broadcast_in_dim3A : f32 to vector<16xf32>
    %iota3A = tpu.iota {dimensions = array<i32: 0>} : vector<16xi32>
    %eq3A = arith.constant 0 : i32
    %eq3A_2 = vector.broadcast %eq3A : i32 to vector<16xi32>
    %eq3A_3 = arith.cmpi eq, %iota3A, %eq3A_2 : vector<16xi32>
    %jit3A = arith.constant 1.000000e+00 : f32
    %jit3A_4 = arith.constant 0.000000e+00 : f32
    %broadcast_in_dim3A_5 = vector.broadcast %jit3A : f32 to vector<16xf32>
    %broadcast_in_dim3A_6 = vector.broadcast %jit3A_4 : f32 to vector<16xf32>
    %select_n3A = arith.select %eq3A_3, %broadcast_in_dim3A_5, %broadcast_in_dim3A_6 : vector<16xi1>, vector<16xf32>
    %scan3A = arith.constant 0 : i32
    %scan3A_7 = arith.constant 0 : i32
    %scan3A_8 = arith.constant 125 : i32
    %scan3A_9 = arith.addi %scan3A_7, %scan3A_8 : i32
    %scan3A_10 = arith.constant 1 : i32
    scf.for %scan3A_35 = %scan3A_7 to %scan3A_9 step %scan3A_10  : i32 {
      %swap3A = arith.index_cast %scan3A_35 : i32 to index
      %swap3A_36 = arith.constant 0 : index
      %swap3A_37 = tpu.vector_load %arg5[%swap3A, %swap3A_36] {strides = array<i32>} : memref<125x16xf32, #tpu.memory_space<vmem>>, vector<1x16xf32>,
      %swap3A_38 = vector.shape_cast %swap3A_37 : vector<1x16xf32> to vector<16xf32>
      %swap3A_39 = vector.shape_cast %select_n3A : vector<16xf32> to vector<1x16xf32>
      tpu.vector_store %arg5[%swap3A, %swap3A_36], %swap3A_39 {strides = array<i32>} : memref<125x16xf32, #tpu.memory_space<vmem>>, vector<1x16xf32>,
    }
    %scan3A_11 = arith.constant 125 : i32
    %scan3A_12 = arith.constant 0 : i32
    %scan3A_13 = arith.constant 0 : i32
    %scan3A_14 = arith.constant 128 : i32
    %scan3A_15 = arith.addi %scan3A_13, %scan3A_14 : i32
    %scan3A_16 = arith.constant 1 : i32
    scf.for %scan3A_35 = %scan3A_13 to %scan3A_15 step %scan3A_16  : i32 {
      %swap3A = arith.index_cast %scan3A_35 : i32 to index
      %swap3A_36 = arith.constant 0 : index
      %swap3A_37 = tpu.vector_load %arg6[%swap3A, %swap3A_36] {strides = array<i32>} : memref<128x16xf32, #tpu.memory_space<vmem>>, vector<1x16xf32>,
      %swap3A_38 = vector.shape_cast %swap3A_37 : vector<1x16xf32> to vector<16xf32>
      %swap3A_39 = vector.shape_cast %broadcast_in_dim3A_1 : vector<16xf32> to vector<1x16xf32>
      tpu.vector_store %arg6[%swap3A, %swap3A_36], %swap3A_39 {strides = array<i32>} : memref<128x16xf32, #tpu.memory_space<vmem>>, vector<1x16xf32>,
    }
    %scan3A_17 = arith.constant 128 : i32
    %scan3A_18 = arith.constant 0 : i32
    %scan3A_19 = arith.constant 0 : i32
    %scan3A_20 = arith.constant 5 : i32
    %scan3A_21 = arith.addi %scan3A_19, %scan3A_20 : i32
    %scan3A_22 = arith.constant 1 : i32
    scf.for %scan3A_35 = %scan3A_19 to %scan3A_21 step %scan3A_22  : i32 {
      %mul3A_36 = arith.constant 640 : i32
      %mul3A_37 = arith.muli %arg1, %mul3A_36 : i32
      %mul3A_38 = arith.constant 128 : i32
      %mul3A_39 = arith.muli %scan3A_35, %mul3A_38 : i32
      %add3A_40 = arith.addi %mul3A_37, %mul3A_39 : i32
      "tpu.region"() ({
        %run_scoped3A = tpu.sem_alloc : memref<!tpu.dma_semaphore, #tpu.memory_space<semaphore_mem>>
        %dma_start3A = arith.constant 0 : i32
        %dma_start3A_41 = tpu.memref_slice %arg7[%add3A_40, %dma_start3A] : memref<10240x16xf32, #tpu.memory_space<vmem_shared>> -> memref<128x16xf32, #tpu.memory_space<vmem_shared>>
        %dma_start3A_42 = arith.constant 0 : i32
        %dma_start3A_43 = tpu.memref_slice %arg7[%add3A_40, %dma_start3A_42] : memref<10240x16xf32, #tpu.memory_space<vmem_shared>> -> memref<128x16xf32, #tpu.memory_space<vmem_shared>>
        tpu.enqueue_dma source(%arg6 : memref<128x16xf32, #tpu.memory_space<vmem>>) target(%dma_start3A_43 : memref<128x16xf32, #tpu.memory_space<vmem_shared>>) target_semaphore(%run_scoped3A : memref<!tpu.dma_semaphore, #tpu.memory_space<semaphore_mem>>)
        %dma_wait3A = arith.constant 0 : i32
        %dma_wait3A_44 = tpu.memref_slice %arg7[%add3A_40, %dma_wait3A] : memref<10240x16xf32, #tpu.memory_space<vmem_shared>> -> memref<128x16xf32, #tpu.memory_space<vmem_shared>>
        %dma_wait3A_45 = arith.constant 0 : i32
        %dma_wait3A_46 = tpu.memref_slice %arg7[%add3A_40, %dma_wait3A_45] : memref<10240x16xf32, #tpu.memory_space<vmem_shared>> -> memref<128x16xf32, #tpu.memory_space<vmem_shared>>
        tpu.wait_dma2 semaphore(%run_scoped3A : memref<!tpu.dma_semaphore, #tpu.memory_space<semaphore_mem>>) src(%arg6 : memref<128x16xf32, #tpu.memory_space<vmem>>) dst(%dma_wait3A_46 : memref<128x16xf32, #tpu.memory_space<vmem_shared>>)
        tpu.yield
      }) : () -> ()
    }
    %scan3A_23 = arith.constant 5 : i32
    "tpu.region"() ({
      %run_scoped3A = tpu.sem_alloc : memref<!tpu.dma_semaphore, #tpu.memory_space<semaphore_mem>>
      %dma_start3A = arith.constant 0 : i32
      %dma_start3A_35 = arith.constant 0 : i32
      %dma_start3A_36 = tpu.memref_slice %arg2[%add3A, %dma_start3A, %dma_start3A_35] : memref<32x80x125xi32, #tpu.memory_space<hbm>> -> memref<1x80x125xi32, #tpu.memory_space<hbm>>
      %dma_start3A_37 = tpu.memref_squeeze %dma_start3A_36 : memref<1x80x125xi32, #tpu.memory_space<hbm>> -> memref<80x125xi32, #tpu.memory_space<hbm>>
      %dma_start3A_38 = arith.constant 0 : i32
      %dma_start3A_39 = arith.constant 0 : i32
      %dma_start3A_40 = tpu.memref_slice %arg2[%add3A, %dma_start3A_38, %dma_start3A_39] : memref<32x80x125xi32, #tpu.memory_space<hbm>> -> memref<1x80x125xi32, #tpu.memory_space<hbm>>
      %dma_start3A_41 = tpu.memref_squeeze %dma_start3A_40 : memref<1x80x125xi32, #tpu.memory_space<hbm>> -> memref<80x125xi32, #tpu.memory_space<hbm>>
      tpu.enqueue_dma source(%dma_start3A_41 : memref<80x125xi32, #tpu.memory_space<hbm>>) target(%arg4 : memref<80x125xi32, #tpu.memory_space<vmem>>) target_semaphore(%run_scoped3A : memref<!tpu.dma_semaphore, #tpu.memory_space<semaphore_mem>>)
      %dma_wait3A = arith.constant 0 : i32
      %dma_wait3A_42 = arith.constant 0 : i32
      %dma_wait3A_43 = tpu.memref_slice %arg2[%add3A, %dma_wait3A, %dma_wait3A_42] : memref<32x80x125xi32, #tpu.memory_space<hbm>> -> memref<1x80x125xi32, #tpu.memory_space<hbm>>
      %dma_wait3A_44 = tpu.memref_squeeze %dma_wait3A_43 : memref<1x80x125xi32, #tpu.memory_space<hbm>> -> memref<80x125xi32, #tpu.memory_space<hbm>>
      %dma_wait3A_45 = arith.constant 0 : i32
      %dma_wait3A_46 = arith.constant 0 : i32
      %dma_wait3A_47 = tpu.memref_slice %arg2[%add3A, %dma_wait3A_45, %dma_wait3A_46] : memref<32x80x125xi32, #tpu.memory_space<hbm>> -> memref<1x80x125xi32, #tpu.memory_space<hbm>>
      %dma_wait3A_48 = tpu.memref_squeeze %dma_wait3A_47 : memref<1x80x125xi32, #tpu.memory_space<hbm>> -> memref<80x125xi32, #tpu.memory_space<hbm>>
      tpu.wait_dma2 semaphore(%run_scoped3A : memref<!tpu.dma_semaphore, #tpu.memory_space<semaphore_mem>>) src(%dma_wait3A_48 : memref<80x125xi32, #tpu.memory_space<hbm>>) dst(%arg4 : memref<80x125xi32, #tpu.memory_space<vmem>>)
      tpu.yield
    }) : () -> ()
    %barrier3A = arith.constant 0 : index
    tpu.barrier barrier_id(%barrier3A)
    %scan3A_24 = arith.constant 0 : i32
    %scan3A_25 = arith.constant 0 : i32
    %scan3A_26 = arith.constant 10 : i32
    %scan3A_27 = arith.addi %scan3A_25, %scan3A_26 : i32
    %scan3A_28 = arith.constant 1 : i32
    scf.for %scan3A_35 = %scan3A_25 to %scan3A_27 step %scan3A_28  : i32 {
      %scan3A_36 = arith.constant 0 : i32
      %scan3A_37 = arith.constant 0 : i32
      %scan3A_38 = arith.constant 8 : i32
      %scan3A_39 = arith.addi %scan3A_37, %scan3A_38 : i32
      %scan3A_40 = arith.constant 1 : i32
      scf.for %scan3A_48 = %scan3A_37 to %scan3A_39 step %scan3A_40  : i32 {
        %mul3A_49 = arith.constant 8 : i32
        %mul3A_50 = arith.muli %scan3A_35, %mul3A_49 : i32
        %add3A_51 = arith.addi %mul3A_50, %scan3A_48 : i32
        %dma_start3A = arith.constant 0 : i32
        %dma_start3A_52 = tpu.memref_slice %arg4[%add3A_51, %dma_start3A] : memref<80x125xi32, #tpu.memory_space<vmem>> -> memref<1x125xi32, #tpu.memory_space<vmem>>
        %dma_start3A_53 = tpu.memref_squeeze %dma_start3A_52 : memref<1x125xi32, #tpu.memory_space<vmem>> -> memref<125xi32, #tpu.memory_space<vmem>>
        %dma_start3A_54 = arith.constant 0 : i32
        %dma_start3A_55 = arith.constant 0 : i32
        %dma_start3A_56 = tpu.memref_slice %arg7[%dma_start3A_54, %dma_start3A_55] : memref<10240x16xf32, #tpu.memory_space<vmem_shared>> -> memref<10240x16xf32, #tpu.memory_space<vmem_shared>>
        tpu.enqueue_indirect_dma source(%arg5 : memref<125x16xf32, #tpu.memory_space<vmem>>) target(%dma_start3A_56 : memref<10240x16xf32, #tpu.memory_space<vmem_shared>>) offsets(%dma_start3A_53 : memref<125xi32, #tpu.memory_space<vmem>>) semaphore(%arg8 : memref<!tpu.dma_semaphore, #tpu.memory_space<semaphore_mem>>) {add = true}
      }
      %scan3A_41 = arith.constant 8 : i32
      %scan3A_42 = arith.constant 0 : i32
      %scan3A_43 = arith.constant 0 : i32
      %scan3A_44 = arith.constant 8 : i32
      %scan3A_45 = arith.addi %scan3A_43, %scan3A_44 : i32
      %scan3A_46 = arith.constant 1 : i32
      scf.for %scan3A_48 = %scan3A_43 to %scan3A_45 step %scan3A_46  : i32 {
        %mul3A_49 = arith.constant 8 : i32
        %mul3A_50 = arith.muli %scan3A_35, %mul3A_49 : i32
        %add3A_51 = arith.addi %mul3A_50, %scan3A_48 : i32
        %dma_wait3A = arith.constant 0 : i32
        %dma_wait3A_52 = tpu.memref_slice %arg4[%add3A_51, %dma_wait3A] : memref<80x125xi32, #tpu.memory_space<vmem>> -> memref<1x125xi32, #tpu.memory_space<vmem>>
        %dma_wait3A_53 = tpu.memref_squeeze %dma_wait3A_52 : memref<1x125xi32, #tpu.memory_space<vmem>> -> memref<125xi32, #tpu.memory_space<vmem>>
        %dma_wait3A_54 = arith.constant 0 : i32
        %dma_wait3A_55 = arith.constant 0 : i32
        %dma_wait3A_56 = tpu.memref_slice %arg7[%dma_wait3A_54, %dma_wait3A_55] : memref<10240x16xf32, #tpu.memory_space<vmem_shared>> -> memref<10240x16xf32, #tpu.memory_space<vmem_shared>>
        tpu.wait_indirect_dma semaphore(%arg8 : memref<!tpu.dma_semaphore, #tpu.memory_space<semaphore_mem>>) src(%arg5 : memref<125x16xf32, #tpu.memory_space<vmem>>) dst(%dma_wait3A_56 : memref<10240x16xf32, #tpu.memory_space<vmem_shared>>)
      }
      %scan3A_47 = arith.constant 8 : i32
    }
    %scan3A_29 = arith.constant 10 : i32
    %barrier3A_30 = arith.constant 0 : index
    tpu.barrier barrier_id(%barrier3A_30)
    %mul3A_31 = arith.constant 640 : i32
    %mul3A_32 = arith.muli %arg1, %mul3A_31 : i32
    %mul3A_33 = arith.constant 640 : i32
    %mul3A_34 = arith.muli %arg1, %mul3A_33 : i32
    "tpu.region"() ({
      %run_scoped3A = tpu.sem_alloc : memref<!tpu.dma_semaphore, #tpu.memory_space<semaphore_mem>>
      %dma_start3A = arith.constant 0 : i32
      %dma_start3A_35 = tpu.memref_slice %arg3[%arg0, %mul3A_34, %dma_start3A] : memref<2x10240x16xf32, #tpu.memory_space<hbm>> -> memref<1x640x16xf32, #tpu.memory_space<hbm>>
      %dma_start3A_36 = tpu.memref_squeeze %dma_start3A_35 : memref<1x640x16xf32, #tpu.memory_space<hbm>> -> memref<640x16xf32, #tpu.memory_space<hbm>>
      %dma_start3A_37 = arith.constant 0 : i32
      %dma_start3A_38 = tpu.memref_slice %arg7[%mul3A_32, %dma_start3A_37] : memref<10240x16xf32, #tpu.memory_space<vmem_shared>> -> memref<640x16xf32, #tpu.memory_space<vmem_shared>>
      tpu.enqueue_dma source(%dma_start3A_38 : memref<640x16xf32, #tpu.memory_space<vmem_shared>>) target(%dma_start3A_36 : memref<640x16xf32, #tpu.memory_space<hbm>>) target_semaphore(%run_scoped3A : memref<!tpu.dma_semaphore, #tpu.memory_space<semaphore_mem>>)
      %dma_wait3A = arith.constant 0 : i32
      %dma_wait3A_39 = tpu.memref_slice %arg3[%arg0, %mul3A_34, %dma_wait3A] : memref<2x10240x16xf32, #tpu.memory_space<hbm>> -> memref<1x640x16xf32, #tpu.memory_space<hbm>>
      %dma_wait3A_40 = tpu.memref_squeeze %dma_wait3A_39 : memref<1x640x16xf32, #tpu.memory_space<hbm>> -> memref<640x16xf32, #tpu.memory_space<hbm>>
      %dma_wait3A_41 = arith.constant 0 : i32
      %dma_wait3A_42 = tpu.memref_slice %arg7[%mul3A_32, %dma_wait3A_41] : memref<10240x16xf32, #tpu.memory_space<vmem_shared>> -> memref<640x16xf32, #tpu.memory_space<vmem_shared>>
      tpu.wait_dma2 semaphore(%run_scoped3A : memref<!tpu.dma_semaphore, #tpu.memory_space<semaphore_mem>>) src(%dma_wait3A_42 : memref<640x16xf32, #tpu.memory_space<vmem_shared>>) dst(%dma_wait3A_40 : memref<640x16xf32, #tpu.memory_space<hbm>>)
      tpu.yield
    }) : () -> ()
    return
  }
}

module attributes {stable_mosaic.version = 14 : i64} {
  func.func @_bn_body(%arg0: i32, %arg1: i32, %arg2: memref<2x1000x128xf32, #tpu.memory_space<vmem>>, %arg3: memref<1000x128xf32, #tpu.memory_space<vmem>>, %arg4: memref<2x1000x16xf32, #tpu.memory_space<vmem>>, %arg5: memref<1x128xf32, #tpu.memory_space<vmem>>, %arg6: memref<1x128xf32, #tpu.memory_space<vmem>>, %arg7: memref<1000x128xf32, #tpu.memory_space<vmem>>, %arg8: memref<10x1000x128xf32, #tpu.memory_space<vmem>>, %arg9: memref<1x128xf32, #tpu.memory_space<vmem>>, %arg10: memref<1x128xf32, #tpu.memory_space<vmem>>, %arg11: memref<1x128xf32, #tpu.memory_space<vmem>>, %arg12: memref<1x128xf32, #tpu.memory_space<vmem>>) attributes {dimension_semantics = [#tpu.dimension_semantics<arbitrary>, #tpu.dimension_semantics<arbitrary>], iteration_bounds = array<i64: 2, 10>, scalar_prefetch = 0 : i64, scratch_operands = 5 : i64, tpu.core_type = #tpu.core_type<tc>, window_params = [{transform_indices = @transform_0, window_bounds = array<i64: 2, 1000, 128>}, {transform_indices = @transform_1, window_bounds = array<i64: 1000, 128>}, {transform_indices = @transform_2, window_bounds = array<i64: 2, 1000, 16>}, {pipeline_mode = #tpu.pipeline_mode<synchronous>, transform_indices = @transform_3, window_bounds = array<i64: 1, 128>}, {pipeline_mode = #tpu.pipeline_mode<synchronous>, transform_indices = @transform_4, window_bounds = array<i64: 1, 128>}, {transform_indices = @transform_5, window_bounds = array<i64: 1000, 128>}]} {
    %eq3A = arith.constant 0 : i32
    %eq3A_0 = arith.cmpi eq, %arg0, %eq3A : i32
    %convert_element_type3A = arith.extui %eq3A_0 : i1 to i32
    %cond3A = arith.constant 0 : i32
    %cond3A_1 = arith.cmpi ne, %convert_element_type3A, %cond3A : i32
    scf.if %cond3A_1 {
      %get3A = arith.constant 0 : index
      %get3A_7 = arith.constant 0 : index
      %get3A_8 = arith.constant 0 : index
      %get3A_9 = vector.load %arg4[%get3A, %get3A_7, %get3A_8] : memref<2x1000x16xf32, #tpu.memory_space<vmem>>, vector<2x1000x16xf32>
      %reduce_sum3A = arith.constant dense<0.000000e+00> : vector<1000xf32>
      %reduce_sum3A_10 = vector.multi_reduction <add>, %get3A_9, %reduce_sum3A [0, 2] : vector<2x1000x16xf32> to vector<1000xf32>
      %add3A = arith.constant 1.000000e+00 : f32
      %add3A_11 = vector.broadcast %add3A : f32 to vector<1000xf32>
      %add3A_12 = arith.addf %reduce_sum3A_10, %add3A_11 : vector<1000xf32>
      %rsqrt3A = math.rsqrt %add3A_12 : vector<1000xf32>
      %get3A_13 = arith.constant 0 : index
      %get3A_14 = arith.constant 0 : index
      %get3A_15 = arith.constant 0 : index
      %get3A_16 = vector.load %arg2[%get3A_13, %get3A_14, %get3A_15] : memref<2x1000x128xf32, #tpu.memory_space<vmem>>, vector<1x1000x128xf32>
      %get3A_17 = vector.shape_cast %get3A_16 : vector<1x1000x128xf32> to vector<1000x128xf32>
      %get3A_18 = arith.constant 1 : index
      %get3A_19 = arith.constant 0 : index
      %get3A_20 = arith.constant 0 : index
      %get3A_21 = vector.load %arg2[%get3A_18, %get3A_19, %get3A_20] : memref<2x1000x128xf32, #tpu.memory_space<vmem>>, vector<1x1000x128xf32>
      %get3A_22 = vector.shape_cast %get3A_21 : vector<1x1000x128xf32> to vector<1000x128xf32>
      %add3A_23 = arith.addf %get3A_17, %get3A_22 : vector<1000x128xf32>
      %get3A_24 = arith.constant 0 : index
      %get3A_25 = arith.constant 0 : index
      %get3A_26 = vector.load %arg3[%get3A_24, %get3A_25] : memref<1000x128xf32, #tpu.memory_space<vmem>>, vector<1000x128xf32>
      %add3A_27 = arith.addf %add3A_23, %get3A_26 : vector<1000x128xf32>
      %broadcast_in_dim3A = vector.shape_cast %rsqrt3A : vector<1000xf32> to vector<1000x1xf32>
      %mul3A = vector.broadcast %broadcast_in_dim3A : vector<1000x1xf32> to vector<1000x128xf32>
      %mul3A_28 = arith.mulf %add3A_27, %mul3A : vector<1000x128xf32>
      %swap3A = arith.index_cast %arg1 : i32 to index
      %swap3A_29 = arith.constant 0 : index
      %swap3A_30 = arith.constant 0 : index
      %swap3A_31 = vector.load %arg8[%swap3A, %swap3A_29, %swap3A_30] : memref<10x1000x128xf32, #tpu.memory_space<vmem>>, vector<1x1000x128xf32>
      %swap3A_32 = vector.shape_cast %swap3A_31 : vector<1x1000x128xf32> to vector<1000x128xf32>
      %swap3A_33 = vector.shape_cast %mul3A_28 : vector<1000x128xf32> to vector<1x1000x128xf32>
      tpu.vector_store %arg8[%swap3A, %swap3A_29, %swap3A_30], %swap3A_33 {strides = array<i32>} : memref<10x1000x128xf32, #tpu.memory_space<vmem>>, vector<1x1000x128xf32>,
      %eq3A_34 = arith.constant 0 : i32
      %eq3A_35 = arith.cmpi eq, %arg1, %eq3A_34 : i32
      %convert_element_type3A_36 = arith.extui %eq3A_35 : i1 to i32
      %cond3A_37 = arith.constant 0 : i32
      %cond3A_38 = arith.cmpi ne, %convert_element_type3A_36, %cond3A_37 : i32
      scf.if %cond3A_38 {
        %broadcast_in_dim3A_63 = arith.constant 0.000000e+00 : f32
        %broadcast_in_dim3A_64 = vector.broadcast %broadcast_in_dim3A_63 : f32 to vector<1x128xf32>
        %swap3A_65 = arith.constant 0 : index
        %swap3A_66 = arith.constant 0 : index
        %swap3A_67 = vector.load %arg9[%swap3A_65, %swap3A_66] : memref<1x128xf32, #tpu.memory_space<vmem>>, vector<1x128xf32>
        tpu.vector_store %arg9[%swap3A_65, %swap3A_66], %broadcast_in_dim3A_64 {strides = array<i32>} : memref<1x128xf32, #tpu.memory_space<vmem>>, vector<1x128xf32>,
        %broadcast_in_dim3A_68 = arith.constant 0.000000e+00 : f32
        %broadcast_in_dim3A_69 = vector.broadcast %broadcast_in_dim3A_68 : f32 to vector<1x128xf32>
        %swap3A_70 = arith.constant 0 : index
        %swap3A_71 = arith.constant 0 : index
        %swap3A_72 = vector.load %arg10[%swap3A_70, %swap3A_71] : memref<1x128xf32, #tpu.memory_space<vmem>>, vector<1x128xf32>
        tpu.vector_store %arg10[%swap3A_70, %swap3A_71], %broadcast_in_dim3A_69 {strides = array<i32>} : memref<1x128xf32, #tpu.memory_space<vmem>>, vector<1x128xf32>,
      } else {
      }
      %get3A_39 = arith.constant 0 : index
      %get3A_40 = arith.constant 0 : index
      %get3A_41 = vector.load %arg9[%get3A_39, %get3A_40] : memref<1x128xf32, #tpu.memory_space<vmem>>, vector<1x128xf32>
      %reduce_sum3A_42 = arith.constant dense<0.000000e+00> : vector<128xf32>
      %reduce_sum3A_43 = vector.multi_reduction <add>, %mul3A_28, %reduce_sum3A_42 [0] : vector<1000x128xf32> to vector<128xf32>
      %broadcast_in_dim3A_44 = vector.shape_cast %reduce_sum3A_43 : vector<128xf32> to vector<1x128xf32>
      %add3A_45 = arith.addf %get3A_41, %broadcast_in_dim3A_44 : vector<1x128xf32>
      %swap3A_46 = arith.constant 0 : index
      %swap3A_47 = arith.constant 0 : index
      %swap3A_48 = vector.load %arg9[%swap3A_46, %swap3A_47] : memref<1x128xf32, #tpu.memory_space<vmem>>, vector<1x128xf32>
      tpu.vector_store %arg9[%swap3A_46, %swap3A_47], %add3A_45 {strides = array<i32>} : memref<1x128xf32, #tpu.memory_space<vmem>>, vector<1x128xf32>,
      %get3A_49 = arith.constant 0 : index
      %get3A_50 = arith.constant 0 : index
      %get3A_51 = vector.load %arg10[%get3A_49, %get3A_50] : memref<1x128xf32, #tpu.memory_space<vmem>>, vector<1x128xf32>
      %mul3A_52 = arith.mulf %mul3A_28, %mul3A_28 : vector<1000x128xf32>
      %reduce_sum3A_53 = arith.constant dense<0.000000e+00> : vector<128xf32>
      %reduce_sum3A_54 = vector.multi_reduction <add>, %mul3A_52, %reduce_sum3A_53 [0] : vector<1000x128xf32> to vector<128xf32>
      %broadcast_in_dim3A_55 = vector.shape_cast %reduce_sum3A_54 : vector<128xf32> to vector<1x128xf32>
      %add3A_56 = arith.addf %get3A_51, %broadcast_in_dim3A_55 : vector<1x128xf32>
      %swap3A_57 = arith.constant 0 : index
      %swap3A_58 = arith.constant 0 : index
      %swap3A_59 = vector.load %arg10[%swap3A_57, %swap3A_58] : memref<1x128xf32, #tpu.memory_space<vmem>>, vector<1x128xf32>
      tpu.vector_store %arg10[%swap3A_57, %swap3A_58], %add3A_56 {strides = array<i32>} : memref<1x128xf32, #tpu.memory_space<vmem>>, vector<1x128xf32>,
      %swap3A_60 = arith.constant 0 : index
      %swap3A_61 = arith.constant 0 : index
      %swap3A_62 = vector.load %arg7[%swap3A_60, %swap3A_61] : memref<1000x128xf32, #tpu.memory_space<vmem>>, vector<1000x128xf32>
      tpu.vector_store %arg7[%swap3A_60, %swap3A_61], %mul3A_28 {strides = array<i32>} : memref<1000x128xf32, #tpu.memory_space<vmem>>, vector<1000x128xf32>,
    } else {
    }
    %eq3A_2 = arith.constant 1 : i32
    %eq3A_3 = arith.cmpi eq, %arg0, %eq3A_2 : i32
    %convert_element_type3A_4 = arith.extui %eq3A_3 : i1 to i32
    %cond3A_5 = arith.constant 0 : i32
    %cond3A_6 = arith.cmpi ne, %convert_element_type3A_4, %cond3A_5 : i32
    scf.if %cond3A_6 {
      %eq3A_7 = arith.constant 0 : i32
      %eq3A_8 = arith.cmpi eq, %arg1, %eq3A_7 : i32
      %convert_element_type3A_9 = arith.extui %eq3A_8 : i1 to i32
      %cond3A_10 = arith.constant 0 : i32
      %cond3A_11 = arith.cmpi ne, %convert_element_type3A_9, %cond3A_10 : i32
      scf.if %cond3A_11 {
        %get3A_28 = arith.constant 0 : index
        %get3A_29 = arith.constant 0 : index
        %get3A_30 = vector.load %arg9[%get3A_28, %get3A_29] : memref<1x128xf32, #tpu.memory_space<vmem>>, vector<1x128xf32>
        %div3A = arith.constant 1.000000e+04 : f32
        %div3A_31 = vector.broadcast %div3A : f32 to vector<1x128xf32>
        %div3A_32 = arith.divf %get3A_30, %div3A_31 : vector<1x128xf32>
        %get3A_33 = arith.constant 0 : index
        %get3A_34 = arith.constant 0 : index
        %get3A_35 = vector.load %arg10[%get3A_33, %get3A_34] : memref<1x128xf32, #tpu.memory_space<vmem>>, vector<1x128xf32>
        %div3A_36 = arith.constant 1.000000e+04 : f32
        %div3A_37 = vector.broadcast %div3A_36 : f32 to vector<1x128xf32>
        %div3A_38 = arith.divf %get3A_35, %div3A_37 : vector<1x128xf32>
        %mul3A_39 = arith.mulf %div3A_32, %div3A_32 : vector<1x128xf32>
        %sub3A = arith.subf %div3A_38, %mul3A_39 : vector<1x128xf32>
        %add3A_40 = arith.constant 9.99999974E-6 : f32
        %add3A_41 = vector.broadcast %add3A_40 : f32 to vector<1x128xf32>
        %add3A_42 = arith.addf %sub3A, %add3A_41 : vector<1x128xf32>
        %rsqrt3A = math.rsqrt %add3A_42 : vector<1x128xf32>
        %get3A_43 = arith.constant 0 : index
        %get3A_44 = arith.constant 0 : index
        %get3A_45 = vector.load %arg5[%get3A_43, %get3A_44] : memref<1x128xf32, #tpu.memory_space<vmem>>, vector<1x128xf32>
        %mul3A_46 = arith.mulf %rsqrt3A, %get3A_45 : vector<1x128xf32>
        %swap3A_47 = arith.constant 0 : index
        %swap3A_48 = arith.constant 0 : index
        %swap3A_49 = vector.load %arg11[%swap3A_47, %swap3A_48] : memref<1x128xf32, #tpu.memory_space<vmem>>, vector<1x128xf32>
        tpu.vector_store %arg11[%swap3A_47, %swap3A_48], %mul3A_46 {strides = array<i32>} : memref<1x128xf32, #tpu.memory_space<vmem>>, vector<1x128xf32>,
        %get3A_50 = arith.constant 0 : index
        %get3A_51 = arith.constant 0 : index
        %get3A_52 = vector.load %arg6[%get3A_50, %get3A_51] : memref<1x128xf32, #tpu.memory_space<vmem>>, vector<1x128xf32>
        %mul3A_53 = arith.mulf %div3A_32, %rsqrt3A : vector<1x128xf32>
        %get3A_54 = arith.constant 0 : index
        %get3A_55 = arith.constant 0 : index
        %get3A_56 = vector.load %arg5[%get3A_54, %get3A_55] : memref<1x128xf32, #tpu.memory_space<vmem>>, vector<1x128xf32>
        %mul3A_57 = arith.mulf %mul3A_53, %get3A_56 : vector<1x128xf32>
        %sub3A_58 = arith.subf %get3A_52, %mul3A_57 : vector<1x128xf32>
        %swap3A_59 = arith.constant 0 : index
        %swap3A_60 = arith.constant 0 : index
        %swap3A_61 = vector.load %arg12[%swap3A_59, %swap3A_60] : memref<1x128xf32, #tpu.memory_space<vmem>>, vector<1x128xf32>
        tpu.vector_store %arg12[%swap3A_59, %swap3A_60], %sub3A_58 {strides = array<i32>} : memref<1x128xf32, #tpu.memory_space<vmem>>, vector<1x128xf32>,
      } else {
      }
      %get3A = arith.index_cast %arg1 : i32 to index
      %get3A_12 = arith.constant 0 : index
      %get3A_13 = arith.constant 0 : index
      %get3A_14 = vector.load %arg8[%get3A, %get3A_12, %get3A_13] : memref<10x1000x128xf32, #tpu.memory_space<vmem>>, vector<1x1000x128xf32>
      %get3A_15 = vector.shape_cast %get3A_14 : vector<1x1000x128xf32> to vector<1000x128xf32>
      %get3A_16 = arith.constant 0 : index
      %get3A_17 = arith.constant 0 : index
      %get3A_18 = vector.load %arg11[%get3A_16, %get3A_17] : memref<1x128xf32, #tpu.memory_space<vmem>>, vector<1x128xf32>
      %mul3A = vector.broadcast %get3A_18 : vector<1x128xf32> to vector<1000x128xf32>
      %mul3A_19 = arith.mulf %get3A_15, %mul3A : vector<1000x128xf32>
      %get3A_20 = arith.constant 0 : index
      %get3A_21 = arith.constant 0 : index
      %get3A_22 = vector.load %arg12[%get3A_20, %get3A_21] : memref<1x128xf32, #tpu.memory_space<vmem>>, vector<1x128xf32>
      %add3A = vector.broadcast %get3A_22 : vector<1x128xf32> to vector<1000x128xf32>
      %add3A_23 = arith.addf %mul3A_19, %add3A : vector<1000x128xf32>
      %max3A = arith.constant 0.000000e+00 : f32
      %max3A_24 = vector.broadcast %max3A : f32 to vector<1000x128xf32>
      %max3A_25 = arith.maximumf %add3A_23, %max3A_24 : vector<1000x128xf32>
      %swap3A = arith.constant 0 : index
      %swap3A_26 = arith.constant 0 : index
      %swap3A_27 = vector.load %arg7[%swap3A, %swap3A_26] : memref<1000x128xf32, #tpu.memory_space<vmem>>, vector<1000x128xf32>
      tpu.vector_store %arg7[%swap3A, %swap3A_26], %max3A_25 {strides = array<i32>} : memref<1000x128xf32, #tpu.memory_space<vmem>>, vector<1000x128xf32>,
    } else {
    }
    return
  }
  func.func @transform_0(%arg0: i32, %arg1: i32) -> (i32, i32, i32) {
    %sub3A = arith.constant 1 : i32
    %sub3A_0 = arith.subi %sub3A, %arg0 : i32
    %mul3A = arith.muli %arg1, %sub3A_0 : i32
    %c0_i32 = arith.constant 0 : i32
    %c0_i32_1 = arith.constant 0 : i32
    %c0_i32_2 = arith.constant 0 : i32
    return %c0_i32, %mul3A, %c0_i32_1 : i32, i32, i32
  }
  func.func @transform_1(%arg0: i32, %arg1: i32) -> (i32, i32) {
    %sub3A = arith.constant 1 : i32
    %sub3A_0 = arith.subi %sub3A, %arg0 : i32
    %mul3A = arith.muli %arg1, %sub3A_0 : i32
    %c0_i32 = arith.constant 0 : i32
    %c0_i32_1 = arith.constant 0 : i32
    return %mul3A, %c0_i32 : i32, i32
  }
  func.func @transform_2(%arg0: i32, %arg1: i32) -> (i32, i32, i32) {
    %sub3A = arith.constant 1 : i32
    %sub3A_0 = arith.subi %sub3A, %arg0 : i32
    %mul3A = arith.muli %arg1, %sub3A_0 : i32
    %c0_i32 = arith.constant 0 : i32
    %c0_i32_1 = arith.constant 0 : i32
    %c0_i32_2 = arith.constant 0 : i32
    return %c0_i32, %mul3A, %c0_i32_1 : i32, i32, i32
  }
  func.func @transform_3(%arg0: i32, %arg1: i32) -> (i32, i32) {
    %c0_i32 = arith.constant 0 : i32
    %c0_i32_0 = arith.constant 0 : i32
    %c0_i32_1 = arith.constant 0 : i32
    return %c0_i32, %c0_i32_0 : i32, i32
  }
  func.func @transform_4(%arg0: i32, %arg1: i32) -> (i32, i32) {
    %c0_i32 = arith.constant 0 : i32
    %c0_i32_0 = arith.constant 0 : i32
    %c0_i32_1 = arith.constant 0 : i32
    return %c0_i32, %c0_i32_0 : i32, i32
  }
  func.func @transform_5(%arg0: i32, %arg1: i32) -> (i32, i32) {
    %mul3A = arith.muli %arg1, %arg0 : i32
    %c0_i32 = arith.constant 0 : i32
    %c0_i32_0 = arith.constant 0 : i32
    return %mul3A, %c0_i32 : i32, i32
  }
}

module attributes {stable_mosaic.version = 14 : i64} {
  func.func @_mm_body(%arg0: i32, %arg1: memref<1000x128xf32, #tpu.memory_space<vmem>>, %arg2: memref<128x128xf32, #tpu.memory_space<vmem>>, %arg3: memref<2x1000x16xf32, #tpu.memory_space<vmem>>, %arg4: memref<1000x128xf32, #tpu.memory_space<vmem>>) attributes {dimension_semantics = [#tpu.dimension_semantics<arbitrary>], iteration_bounds = array<i64: 10>, scalar_prefetch = 0 : i64, scratch_operands = 0 : i64, tpu.core_type = #tpu.core_type<tc>, window_params = [{transform_indices = @transform_0, window_bounds = array<i64: 1000, 128>}, {pipeline_mode = #tpu.pipeline_mode<synchronous>, transform_indices = @transform_1, window_bounds = array<i64: 128, 128>}, {transform_indices = @transform_2, window_bounds = array<i64: 2, 1000, 16>}, {transform_indices = @transform_3, window_bounds = array<i64: 1000, 128>}]} {
    %get3A = arith.constant 0 : index
    %get3A_0 = arith.constant 0 : index
    %get3A_1 = arith.constant 0 : index
    %get3A_2 = vector.load %arg3[%get3A, %get3A_0, %get3A_1] : memref<2x1000x16xf32, #tpu.memory_space<vmem>>, vector<2x1000x16xf32>
    %reduce_sum3A = arith.constant dense<0.000000e+00> : vector<1000xf32>
    %reduce_sum3A_3 = vector.multi_reduction <add>, %get3A_2, %reduce_sum3A [0, 2] : vector<2x1000x16xf32> to vector<1000xf32>
    %add3A = arith.constant 1.000000e+00 : f32
    %add3A_4 = vector.broadcast %add3A : f32 to vector<1000xf32>
    %add3A_5 = arith.addf %reduce_sum3A_3, %add3A_4 : vector<1000xf32>
    %rsqrt3A = math.rsqrt %add3A_5 : vector<1000xf32>
    %get3A_6 = arith.constant 0 : index
    %get3A_7 = arith.constant 0 : index
    %get3A_8 = vector.load %arg1[%get3A_6, %get3A_7] : memref<1000x128xf32, #tpu.memory_space<vmem>>, vector<1000x128xf32>
    %get3A_9 = arith.constant 0 : index
    %get3A_10 = arith.constant 0 : index
    %get3A_11 = vector.load %arg2[%get3A_9, %get3A_10] : memref<128x128xf32, #tpu.memory_space<vmem>>, vector<128x128xf32>
    %dot_general3A = arith.constant dense<0.000000e+00> : vector<1000x128xf32>
    %dot_general3A_12 = tpu.matmul %get3A_8, %get3A_11, %dot_general3A {dimension_numbers = #tpu.dot_dimension_numbers<[1], [0], [0], [1], [0, 0, 1, 1], [], []>, transpose_lhs_hint = false} : vector<1000x128xf32>, vector<128x128xf32>, vector<1000x128xf32> -> vector<1000x128xf32>
    %broadcast_in_dim3A = vector.shape_cast %rsqrt3A : vector<1000xf32> to vector<1000x1xf32>
    %mul3A = vector.broadcast %broadcast_in_dim3A : vector<1000x1xf32> to vector<1000x128xf32>
    %mul3A_13 = arith.mulf %dot_general3A_12, %mul3A : vector<1000x128xf32>
    %swap3A = arith.constant 0 : index
    %swap3A_14 = arith.constant 0 : index
    %swap3A_15 = vector.load %arg4[%swap3A, %swap3A_14] : memref<1000x128xf32, #tpu.memory_space<vmem>>, vector<1000x128xf32>
    tpu.vector_store %arg4[%swap3A, %swap3A_14], %mul3A_13 {strides = array<i32>} : memref<1000x128xf32, #tpu.memory_space<vmem>>, vector<1000x128xf32>,
    return
  }
  func.func @transform_0(%arg0: i32) -> (i32, i32) {
    %c0_i32 = arith.constant 0 : i32
    %c0_i32_0 = arith.constant 0 : i32
    return %arg0, %c0_i32 : i32, i32
  }
  func.func @transform_1(%arg0: i32) -> (i32, i32) {
    %c0_i32 = arith.constant 0 : i32
    %c0_i32_0 = arith.constant 0 : i32
    %c0_i32_1 = arith.constant 0 : i32
    return %c0_i32, %c0_i32_0 : i32, i32
  }
  func.func @transform_2(%arg0: i32) -> (i32, i32, i32) {
    %c0_i32 = arith.constant 0 : i32
    %c0_i32_0 = arith.constant 0 : i32
    %c0_i32_1 = arith.constant 0 : i32
    return %c0_i32, %arg0, %c0_i32_0 : i32, i32, i32
  }
  func.func @transform_3(%arg0: i32) -> (i32, i32) {
    %c0_i32 = arith.constant 0 : i32
    %c0_i32_0 = arith.constant 0 : i32
    return %arg0, %c0_i32 : i32, i32
  }
}

</mosaic_0001>

<sc_bundles>
// kernel: kernel.6.cloned.1.call-start
scs
__scs_entry_jumppad:
0x0: {  	(pc) =	sbr.rel $0x88, $3  }
0x1: {  	(tag) =	ssettag $0x0;
	lr =	simm.s32 $0x1  }
0x2: {  	[smem:$0x3F9C] =	sst lr;
	_ =	strace $0xD0000000  }
0x3: {  	_ = 	snop  }
0x4: {  	_ = 	snop  }
0x5: {  	_ = 	snop  }
0x6: {  	_ = 	snop  }
0x7: {  	_ = 	snop  }
__scs_overlays_trampoline_lowered:
0x8: {  	[smem:$0x3FAB] =	sst s0  }
0x9: {  	[smem:$0x3FAC] =	sst s1  }
0xa: {  	[smem:$0x3FAD] =	sst s2  }
0xb: {  	[smem:$0x3FAE] =	sst s3  }
0xc: {  	[smem:$0x3FAF] =	sst s4  }
0xd: {  	[smem:$0x3FB0] =	sst s5  }
0xe: {  	[smem:$0x3FB1] =	sst s6  }
0xf: {  	[smem:$0x3FB2] =	sst s7  }
0x10: {  	[smem:$0x3FB3] =	sst s8  }
0x11: {  	[smem:$0x3FB4] =	sst s9;
	s0 =	simm.s32 @!p0 $0x0  }
0x12: {  	s1 =	sld [smem:$0x3F9A];
	s0 =	simm.s32 @p0 $0x1  }
0x13: {  	[smem:$0x3FB5] =	sst s0;
	s0 =	simm.s32 @!p1 $0x0  }
0x14: {  	s2 =	sld [smem:$0x3F99];
	s0 =	simm.s32 @p1 $0x1  }
0x15: {  	[smem:$0x3FB6] =	sst s0;
	s0 =	simm.s32 @!p2 $0x0  }
0x16: {  	s3 =	sld [smem:$0x3FDB];
	s0 =	simm.s32 @p2 $0x1  }
0x17: {  	s4 =	simm.s32 $0x1BF5;
	[smem:$0x3FB8] =	sst s0  }
0x18: {  	s0 =	sld [smem:$0x3F9B];
	_ =	swait.ge [sflag:s4], $0x0  }
0x19: {  	s7 =	sld [smem:$0x3F9C]  }
0x1a: {  	s8 =	sadd.s32 $0xFFFFE003, lr  }
0x1b: {  	s9 =	sadd.s32 $0xFFFFFEF7, lr;
	s5 =	simm.s32 $0xFFFFFFFF;
	p2 =	slt.u32 s8, $0xFFFFF086  }
0x1c: {  	p1 =	slt.u32 s9, $0xF7A;
	s5 =	simm.s32 @!p2 $0x0  }
0x1d: {  	s5 =	simm.s32 @p1 $0x1;
	p0 =	seq.s32 s7, s2  }
0x1e: {  	s7 =	smul.u32 @!p0 $0xF7A, s2;
	p2 =	seq.s32 @!p0 s5, $0x0  }
0x1f: {  	s9 =	smul.u32 $0xF7A, s1;
	s8 =	simm.s32 @!p0 $0x1BF5;
	p2 =	por !p2, p0  }
0x20: {  	[sflag:s8] =	ssyncset.s32 @!p0 $0xFFFFF086;
	s6 =	sadd.s32 @!p0 s3, s7;
	s7 =	simm.s32 @!p0 $0x108  }
0x21: {  	s3 =	sadd.s32 s3, s9;
	s6 =	sadd.s32 @!p0 $0x88, s6;
	s7 =	simm.s32 @p2 $0x1082  }
0x22: {  	[simem:s7], [sflag:s8] =	dma.local @!p0 [hbm:s6], $0xF7A  }
0x23: {  	s9 =	sor.u32 $0xD0000000, s2;
	s6 =	simm.s32 $0x108;
	_ =	swait.ge @!p0 [sflag:s8], $0x0  }
0x24: {  	s3 =	sadd.s32 $0x88, s3;
	s6 =	simm.s32 @!p1 $0x1082;
	[sflag:s4] =	ssyncset.s32 $0xFFFFF086  }
0x25: {  	[simem:s6], [sflag:s4] =	dma.local [hbm:s3], $0xF7A  }
0x26: {  	[smem:$0x3F9C] =	sst s1;
	(tag) =	ssettag s2;
	_ =	strace s9  }
0x27: {  	s1 =	sld [smem:$0x3FAC]  }
0x28: {  	s2 =	sld [smem:$0x3FAD]  }
0x29: {  	s4 =	sld [smem:$0x3FAF]  }
0x2a: {  	p0 =	seq.s32 s5, $0x0;
	s5 =	sld [smem:$0x3FB0]  }
0x2b: {  	s6 =	sld [smem:$0x3FB1]  }
0x2c: {  	s7 =	sld [smem:$0x3FB2]  }
0x2d: {  	s3 =	simm.s32 $0x108;
	s8 =	sld [smem:$0x3FB3]  }
0x2e: {  	s3 =	simm.s32 @!p0 $0x1082;
	s9 =	sld [smem:$0x3FB4]  }
0x2f: {  	lr =	sadd.s32 s0, s3;
	s0 =	sld [smem:$0x3FAB]  }
0x30: {  	s3 =	sld [smem:$0x3FAE]  }
0x31: {  	[smem:$0x3FB7] =	sst s10  }
0x32: {  	s10 =	sld [smem:$0x3FB5];
	_ =	sdelay $0x3  }
0x33: {  	p0 =	seq.s32 s10, $0x1;
	s10 =	sld [smem:$0x3FB7];
	_ =	sdelay $0x3  }
0x34: {  	[smem:$0x3FB7] =	sst s10  }
0x35: {  	s10 =	sld [smem:$0x3FB6];
	_ =	sdelay $0x3  }
0x36: {  	p1 =	seq.s32 s10, $0x1;
	s10 =	sld [smem:$0x3FB7];
	_ =	sdelay $0x3  }
0x37: {  	[smem:$0x3FB7] =	sst s10  }
0x38: {  	s10 =	sld [smem:$0x3FB8]  }
0x39: {  	_ = 	snop;
	(pc) =	sbr.ind lr, $3  }
0x3a: {  	_ = 	snop  }
0x3b: {  	_ = 	snop  }
0x3c: {  	p2 =	seq.s32 s10, $0x1;
	s10 =	sld [smem:$0x3FB7]  }
0x3d: {  	_ =	shalt  }
0x3e: {  	_ =	shalt  }
0x3f: {  	_ =	shalt  }
0x40: {  	_ =	shalt  }
0x41: {  	_ =	shalt  }
0x42: {  	_ =	shalt  }
0x43: {  	_ =	shalt  }
0x44: {  	_ =	shalt  }
0x45: {  	_ =	shalt  }
0x46: {  	_ =	shalt  }
0x47: {  	_ =	shalt  }
0x48: {  	_ =	shalt  }
0x49: {  	_ =	shalt  }
0x4a: {  	_ =	shalt  }
0x4b: {  	_ =	shalt  }
0x4c: {  	_ =	shalt  }
0x4d: {  	_ =	shalt  }
0x4e: {  	_ =	shalt  }
0x4f: {  	_ =	shalt  }
0x50: {  	_ =	shalt  }
0x51: {  	_ =	shalt  }
0x52: {  	_ =	shalt  }
0x53: {  	_ =	shalt  }
0x54: {  	_ =	shalt  }
0x55: {  	_ =	shalt  }
0x56: {  	_ =	shalt  }
0x57: {  	_ =	shalt  }
0x58: {  	_ =	shalt  }
0x59: {  	_ =	shalt  }
0x5a: {  	_ =	shalt  }
0x5b: {  	_ =	shalt  }
0x5c: {  	_ =	shalt  }
0x5d: {  	_ =	shalt  }
0x5e: {  	_ =	shalt  }
0x5f: {  	_ =	shalt  }
0x60: {  	_ =	shalt  }
0x61: {  	_ =	shalt  }
0x62: {  	_ =	shalt  }
0x63: {  	_ =	shalt  }
0x64: {  	_ =	shalt  }
0x65: {  	_ =	shalt  }
0x66: {  	_ =	shalt  }
0x67: {  	_ =	shalt  }
0x68: {  	_ =	shalt  }
0x69: {  	_ =	shalt  }
0x6a: {  	_ =	shalt  }
0x6b: {  	_ =	shalt  }
0x6c: {  	_ =	shalt  }
0x6d: {  	_ =	shalt  }
0x6e: {  	_ =	shalt  }
0x6f: {  	_ =	shalt  }
0x70: {  	_ =	shalt  }
0x71: {  	_ =	shalt  }
0x72: {  	_ =	shalt  }
0x73: {  	_ =	shalt  }
0x74: {  	_ =	shalt  }
0x75: {  	_ =	shalt  }
0x76: {  	_ =	shalt  }
0x77: {  	_ =	shalt  }
0x78: {  	_ =	shalt  }
0x79: {  	_ =	shalt  }
0x7a: {  	_ =	shalt  }
0x7b: {  	_ =	shalt  }
0x7c: {  	_ =	shalt  }
0x7d: {  	_ =	shalt  }
0x7e: {  	_ =	shalt  }
0x7f: {  	_ =	shalt  }
0x80: {  	_ =	shalt  }
0x81: {  	_ =	shalt  }
0x82: {  	_ =	shalt  }
0x83: {  	_ =	shalt  }
0x84: {  	_ =	shalt  }
0x85: {  	_ =	shalt  }
0x86: {  	_ =	shalt  }
0x87: {  	_ =	shalt  }
.Lfunc_end0:
.L_simem_size_0:
called_computation_lowered:
.L_overlay_start_0:
0x88: {  	s2 =	sld [smem:$0x3FD9]  }
0x89: {  	s3 =	sld [smem:$0x3FFE];
	_ =	sdelay $0x1  }
0x8a: {  	s1 =	srdreg.scid  }
0x8b: {  	s0 =	sand.u32 $0x1, s1  }
0x8c: {  	s16 =	sshll.u32 s0, $0xA;
	s2 =	sadd.s32 s3, s2  }
0x8d: {  	s2 =	sadd.s32 s2, s16  }
0x8e: {  	[smem:$0x3FC3] =	sst s2  }
0x8f: {  	_ = 	snop  }
0x90: {  	(tm) =	ssettm $0x1  }
0x91: {  	s17 =	sld [smem:$0x3FFB];
	_ =	sdelay $0x3  }
0x92: {  	_ =	strace s17  }
0x93: {  	s2 =	sld [smem:$0x3FFC];
	_ =	sdelay $0x3  }
0x94: {  	_ =	strace s2  }
0x95: {  	s2 =	sld [smem:$0x3FFD];
	_ =	sdelay $0x3  }
0x96: {  	_ =	strace s2  }
0x97: {  	_ =	strace $0x8FFFFFFF  }
0x98: {  	s18 =	sld [smem:$0x3FDB];
	_ =	sdelay $0x1  }
0x99: {  	s19 =	simm.s32 $_scs_section_size  }
0x9a: {  	s4 =	simm.s32 $_size__tile_overlayer_lowered;
	s5 =	simm.s32 $_tile_overlayer_lowered  }
0x9b: {  	s22 =	simm.s32 $0x1BFF;
	s21 =	sshll.u32 s5, $0x1;
	s2 =	sadd.s32 s19, s18  }
0x9c: {  	s6 =	simm.s32 $0x0;
	s20 =	sshll.u32 s4, $0x1;
	s4 =	sadd.s32 s21, s2  }
0x9d: {  	[timem:s6], [sflag:s22] =	dma.local [hbm:s4], s20  }
0x9e: {  	_ =	swait.ge [sflag:s22], s20  }
0x9f: {  	s3 =	ssub.s32 $0x0, s20;
	[sflag:s22] =	ssyncset.done $0x0  }
0xa0: {  	[sflag:s22] =	ssyncadd.s32 s3;
	_ =	sdelay $0x1  }
0xa1: {  	s23 =	simm.s32 $0x1B8B  }
0xa2: {  	_ =	swait.ge [sflag:s23], $0x1  }
0xa3: {  	[sflag:s23] =	ssyncset.done $0x0  }
0xa4: {  	s25 =	simm.s32 $0x1B8E;
	s24 =	sld [smem:$0x3FFE];
	[sflag:s23] =	ssyncadd.s32 $0xFFFFFFFF  }
0xa5: {  	s26 =	simm.s32 $execute0_lowered;
	[smem:$0x3FD2] =	sst s25  }
0xa6: {  	s4 =	sshll.u32 s26, $0x1;
	_ =	strace $0x80000046;
	[dreg:$0x1] =	wrdreg $0xFFFFFFFF  }
0xa7: {  	s28 =	simm.s32 $_size_execute0_lowered;
	s2 =	sadd.s32 s2, s4;
	[dreg:$0x0] =	wrdreg $0x0  }
0xa8: {  	s4 =	sshll.u32 s28, $0x1;
	[dreg:$0x2] =	wrdreg s2  }
0xa9: {  	[dreg:$0x3] =	wrdreg s4  }
0xaa: {  	[dreg:$0x4] =	wrdreg $0xC0  }
0xab: {  	_ =	task [dreg:s6], $0x5FFFF  }
0xac: {  	[dreg:$0x1] =	wrdreg $0xFFFFFFFF  }
0xad: {  	[dreg:$0x0] =	wrdreg $0x60  }
0xae: {  	[dreg:$0x2] =	wrdreg s24  }
0xaf: {  	[dreg:$0x3] =	wrdreg $0xA8000  }
0xb0: {  	[dreg:$0x4] =	wrdreg $0x9  }
0xb1: {  	_ =	task.clear_ibuf [dreg:s6], $0x5FFFF;
	_ =	strace $0x90000046  }
0xb2: {  	s29 =	simm.s32 $0x9;
	_ =	strace $0x80000048  }
0xb3: {  	_ =	swait.ge [sflag:s29], $0x1  }
0xb4: {  	[sflag:s29] =	ssyncadd.s32 $0xFFFFFFFF  }
0xb5: {  	_ =	strace $0x90000048  }
0xb6: {  	_ =	sfence  }
0xb7: {  	s30 =	sld [smem:$0x0];
	_ =	sdelay $0x2  }
0xb8: {  	s31 =	sshll.u32 s1, $0xD;
	s1 =	sshrl.u32 s1, $0x2  }
0xb9: {  	s3 =	sand.u32 $0x4000, s31;
	s1 =	sadd.s32 s1, s30  }
0xba: {  	s0 =	sor.u32 s3, s0;
	s1 =	sshll.u32 s1, $0x11  }
0xbb: {  	s0 =	sor.u32 s1, s0  }
0xbc: {  	s0 =	sadd.s32 $0x8F2B, s0  }
0xbd: {  	[sflag:s0] =	ssyncadd.remote.s32 $0x1  }
0xbe: {  	_ =	sfence.sel $0xFFFF  }
0xbf: {  	[dreg:$0x0] =	wrdreg $0xFFFFFFFF;
	(pc) =	sbr.abs _section_cstart, $3  }
0xc0: {  	[dreg:$0x1] =	wrdreg $0xFFFFFFFF  }
0xc1: {  	_ =	task.clear_ibuf [dreg:s6], $0x2FFFF;
	_ =	strace $0x9FFFFFFF  }
0xc2: {  	(tm) =	ssettm $0x7FFFFFFF  }
0xc3: {  	_ =	shalt  }
tec
execute0_lowered:
.L_overlay_start_1:
0x0: {  	(tag) =	ssettag $0x1  }
0x1: {  	s5 =	rddreg [dreg:$0x0]  }
0x2: {  	s0 =	srdreg.scid;
	s2 =	rddreg [dreg:$0x1]  }
0x3: {  	s3 =	simm.s32 $0x0;
	s12 =	simm.s32 $0x6800;
	s13 =	simm.s32 $0x2  }
0x4: {  	s14 =	simm.s32 $0x7D;
	s15 =	simm.s32 $0x2800;
	s4 =	sand.u32 $0x1, s0  }
0x5: {  	s16 =	simm.s32 $0x1;
	s0 =	stileid.u32;
	s7 =	smul.u32 $0x140000, s4  }
0x6: {  	[smem:$0x7FF] =	sst s3;
	s1 =	sshll.u32 s4, $0x4;
	s8 =	smul.u32 $0x14000, s0  }
0x7: {  	s9 =	smul.u32 $0x50000, s0;
	s4 =	ssub.s32 $0x2, s4;
	s17 =	sshll.u32 s0, $0x6  }
0x8: {  	s1 =	sor.u32 s0, s1;
	s31 =	sshrl.u32 s4, $0x1;
	s17 =	sor.u32 $0x1C02, s17  }
0x9: {  	s6 =	smul.u32 $0x500, s1;
	s1 =	rddreg [dreg:$0x2];
	_ =	strace $0x80000047  }
0xa: {  	s7 =	sadd.s32 s8, s7;
	s9 =	sshrl.u32 s9, $0x2;
	s8 =	ssub.s32 s4, s31  }
0xb: {  	s7 =	sshrl.u32 s7, $0x3;
	s4 =	sadd.s32 s9, s2;
	s6 =	sadd.s32 s6, s5  }
0xc: {  	s7 =	sadd.s32 s7, s5;
	s9 =	sadd.s32 $0x8000, s4;
	s10 =	sadd.s32 $0xC000, s4  }
0xd: {  	v0 =	vimm.f32 $0.0e+00;
	vm0 =	vcmask $0x300;
	s11 =	sadd.s32 $0x10000, s4;
	s18 =	sshrl.u32 s4, $0x3;
	s5 =	sadd.s32 $0x1600, s6  }
0xe: {  	v1 =	vsel vm0, $0x3F800000, v0;
	s6 =	sadd.s32 $0xB600, s7;
	s7 =	smax.u32 s8, $0x1;
	s8 =	sadd.s32 $0x4000, s4  }
.LBB2_1:
0xf: {  	s19 =	simm.s32 $0x0  }
.LBB2_2:
0x10: {  	p0 =	sne.s32 s19, $0xF800  }
.Ltmp0:
0x11: {  	_ = 	snop;
	(pc) =	sbr.rel @p0 .LBB2_2-.Ltmp0, $3  }
0x12: {  	_ =	sdelay $0x1  }
0x13: {  	s20 =	sshra.s32 s19, $0x2  }
0x14: {  	s19 =	sadd.s32 $0x200, s19;
	[tilespmem:s20+$0x2800] =	vst v1  }
0x15: {  	s19 =	simm.s32 $0x200;
	s20 =	simm.s32 $0x0  }
.LBB2_4:
0x16: {  	p0 =	sne.s32 s19, $0xFE00;
	[tilespmem:s20+$0x6800] =	vst v0;
	s20 =	smov.u32 s19;
	s19 =	sadd.s32 $0x200, s19  }
.Ltmp1:
0x17: {  	(pc) =	sbr.rel @p0 .LBB2_4-.Ltmp1, $2  }
0x18: {  	_ =	sdelay $0x2  }
0x19: {  	s20 =	sshra.s32 s20, $0x2  }
0x1a: {  	[tilespmem:s20+$0x6800] =	vst v0  }
0x1b: {  	[spmem:s4] =	stream.linear.scatter [tilespmem:s12], [sflag:$0x2], $0x4000, $0x38;
	[tilespmem:$0xD000] =	vst v63  }
0x1c: {  	_ =	swait.ge [sflag:s13], $0x4000  }
0x1d: {  	[sflag:s13] =	ssyncset.done $0x0  }
0x1e: {  	[sflag:s13] =	ssyncadd.s32 $0xFFFFC000  }
0x1f: {  	[spmem:s8] =	stream.linear.scatter [tilespmem:s12], [sflag:$0x2], $0x4000, $0x38;
	[tilespmem:$0xD000] =	vst v63  }
0x20: {  	_ =	swait.ge [sflag:s13], $0x4000  }
0x21: {  	[sflag:s13] =	ssyncset.done $0x0  }
0x22: {  	[sflag:s13] =	ssyncadd.s32 $0xFFFFC000  }
0x23: {  	[spmem:s9] =	stream.linear.scatter [tilespmem:s12], [sflag:$0x2], $0x4000, $0x38;
	[tilespmem:$0xD000] =	vst v63  }
0x24: {  	_ =	swait.ge [sflag:s13], $0x4000  }
0x25: {  	[sflag:s13] =	ssyncset.done $0x0  }
0x26: {  	[sflag:s13] =	ssyncadd.s32 $0xFFFFC000  }
0x27: {  	[spmem:s10] =	stream.linear.scatter [tilespmem:s12], [sflag:$0x2], $0x4000, $0x38;
	[tilespmem:$0xD000] =	vst v63  }
0x28: {  	_ =	swait.ge [sflag:s13], $0x4000  }
0x29: {  	[sflag:s13] =	ssyncset.done $0x0  }
0x2a: {  	[sflag:s13] =	ssyncadd.s32 $0xFFFFC000  }
0x2b: {  	[spmem:s11] =	stream.linear.scatter [tilespmem:s12], [sflag:$0x2], $0x4000, $0x38;
	[tilespmem:$0xD000] =	vst v63  }
0x2c: {  	_ =	swait.ge [sflag:s13], $0x4000  }
0x2d: {  	[sflag:s13] =	ssyncset.done $0x0  }
0x2e: {  	s19 =	simm.s32 $0x0;
	[sflag:s13] =	ssyncadd.s32 $0xFFFFC000  }
0x2f: {  	[tilespmem:s19], [sflag:$0x2] =	stream.linear.gather [hbm4b:s5+s19], $0x2800, $0x38;
	[tilespmem:$0xD000] =	vst v63  }
0x30: {  	_ =	swait.ge [sflag:s13], $0x2800  }
0x31: {  	[sflag:s13] =	ssyncset.done $0x0  }
0x32: {  	[sflag:s13] =	ssyncadd.s32 $0xFFFFD800  }
0x33: {  	s23 =	simm.s32 $0x0;
	[bflag:$0x0] =	sbarrier.arrive $0xFFFF  }
0x34: {  	[spmem:s2] =	stream.indirect.scatter.add.f32 [tilespmem:s15], [sflag:$0x1], $0x10, s23, s14, $0xb8;
	[tilespmem:$0xD000] =	vst v63  }
0x35: {  	s24 =	simm.s32 $0x80  }
0x36: {  	[spmem:s2] =	stream.indirect.scatter.add.f32 [tilespmem:s15], [sflag:$0x1], $0x10, s24, s14, $0xb8;
	[tilespmem:$0xD000] =	vst v63  }
0x37: {  	s25 =	simm.s32 $0x100  }
0x38: {  	[spmem:s2] =	stream.indirect.scatter.add.f32 [tilespmem:s15], [sflag:$0x1], $0x10, s25, s14, $0xb8;
	[tilespmem:$0xD000] =	vst v63  }
0x39: {  	s26 =	simm.s32 $0x180  }
0x3a: {  	[spmem:s2] =	stream.indirect.scatter.add.f32 [tilespmem:s15], [sflag:$0x1], $0x10, s26, s14, $0xb8;
	[tilespmem:$0xD000] =	vst v63  }
0x3b: {  	s28 =	simm.s32 $0x200  }
0x3c: {  	[spmem:s2] =	stream.indirect.scatter.add.f32 [tilespmem:s15], [sflag:$0x1], $0x10, s28, s14, $0xb8;
	[tilespmem:$0xD000] =	vst v63  }
0x3d: {  	s29 =	simm.s32 $0x280  }
0x3e: {  	[spmem:s2] =	stream.indirect.scatter.add.f32 [tilespmem:s15], [sflag:$0x1], $0x10, s29, s14, $0xb8;
	[tilespmem:$0xD000] =	vst v63  }
0x3f: {  	s30 =	simm.s32 $0x300  }
0x40: {  	[spmem:s2] =	stream.indirect.scatter.add.f32 [tilespmem:s15], [sflag:$0x1], $0x10, s30, s14, $0xb8;
	[tilespmem:$0xD000] =	vst v63  }
0x41: {  	s31 =	simm.s32 $0x380  }
0x42: {  	[spmem:s2] =	stream.indirect.scatter.add.f32 [tilespmem:s15], [sflag:$0x1], $0x10, s31, s14, $0xb8;
	[tilespmem:$0xD000] =	vst v63  }
0x43: {  	_ =	swait.ge [sflag:s16], $0x7D0  }
0x44: {  	[sflag:s16] =	ssyncset.done $0x0  }
0x45: {  	[sflag:s16] =	ssyncadd.s32 $0xFFFFF830  }
0x46: {  	_ =	swait.ge [sflag:s16], $0x7D0  }
0x47: {  	[sflag:s16] =	ssyncset.done $0x0  }
0x48: {  	[sflag:s16] =	ssyncadd.s32 $0xFFFFF830  }
0x49: {  	_ =	swait.ge [sflag:s16], $0x7D0  }
0x4a: {  	[sflag:s16] =	ssyncset.done $0x0  }
0x4b: {  	[sflag:s16] =	ssyncadd.s32 $0xFFFFF830  }
0x4c: {  	_ =	swait.ge [sflag:s16], $0x7D0  }
0x4d: {  	[sflag:s16] =	ssyncset.done $0x0  }
0x4e: {  	[sflag:s16] =	ssyncadd.s32 $0xFFFFF830  }
0x4f: {  	_ =	swait.ge [sflag:s16], $0x7D0  }
0x50: {  	[sflag:s16] =	ssyncset.done $0x0  }
0x51: {  	[sflag:s16] =	ssyncadd.s32 $0xFFFFF830  }
0x52: {  	_ =	swait.ge [sflag:s16], $0x7D0  }
0x53: {  	[sflag:s16] =	ssyncset.done $0x0  }
0x54: {  	[sflag:s16] =	ssyncadd.s32 $0xFFFFF830  }
0x55: {  	_ =	swait.ge [sflag:s16], $0x7D0  }
0x56: {  	[sflag:s16] =	ssyncset.done $0x0  }
0x57: {  	[sflag:s16] =	ssyncadd.s32 $0xFFFFF830  }
0x58: {  	_ =	swait.ge [sflag:s16], $0x7D0  }
0x59: {  	s21 =	simm.s32 $0x2000;
	s19 =	simm.s32 $0x1000;
	[sflag:s16] =	ssyncset.done $0x0  }
.LBB2_6:
0x5a: {  	s22 =	sshra.s32 s19, $0x2  }
0x5b: {  	[sflag:s16] =	ssyncadd.s32 $0xFFFFF830;
	s19 =	smov.u32 s21;
	s20 =	sadd.s32 $0x1000, s21  }
0x5c: {  	[spmem:s2] =	stream.indirect.scatter.add.f32 [tilespmem:s15], [sflag:$0x1], $0x10, s22, s14, $0xb8;
	[tilespmem:$0xD000] =	vst v63  }
0x5d: {  	p0 =	sne.s32 s21, $0x9000;
	s21 =	sadd.s32 $0x80, s22  }
0x5e: {  	[spmem:s2] =	stream.indirect.scatter.add.f32 [tilespmem:s15], [sflag:$0x1], $0x10, s21, s14, $0xb8;
	[tilespmem:$0xD000] =	vst v63  }
0x5f: {  	s21 =	sadd.s32 $0x100, s22  }
0x60: {  	[spmem:s2] =	stream.indirect.scatter.add.f32 [tilespmem:s15], [sflag:$0x1], $0x10, s21, s14, $0xb8;
	[tilespmem:$0xD000] =	vst v63  }
0x61: {  	s21 =	sadd.s32 $0x180, s22  }
0x62: {  	[spmem:s2] =	stream.indirect.scatter.add.f32 [tilespmem:s15], [sflag:$0x1], $0x10, s21, s14, $0xb8;
	[tilespmem:$0xD000] =	vst v63  }
0x63: {  	s21 =	sadd.s32 $0x200, s22  }
0x64: {  	[spmem:s2] =	stream.indirect.scatter.add.f32 [tilespmem:s15], [sflag:$0x1], $0x10, s21, s14, $0xb8;
	[tilespmem:$0xD000] =	vst v63  }
0x65: {  	s21 =	sadd.s32 $0x280, s22  }
0x66: {  	[spmem:s2] =	stream.indirect.scatter.add.f32 [tilespmem:s15], [sflag:$0x1], $0x10, s21, s14, $0xb8;
	[tilespmem:$0xD000] =	vst v63  }
0x67: {  	s21 =	sadd.s32 $0x300, s22  }
0x68: {  	[spmem:s2] =	stream.indirect.scatter.add.f32 [tilespmem:s15], [sflag:$0x1], $0x10, s21, s14, $0xb8;
	[tilespmem:$0xD000] =	vst v63  }
0x69: {  	s21 =	sadd.s32 $0x380, s22  }
0x6a: {  	[spmem:s2] =	stream.indirect.scatter.add.f32 [tilespmem:s15], [sflag:$0x1], $0x10, s21, s14, $0xb8;
	[tilespmem:$0xD000] =	vst v63  }
0x6b: {  	_ =	swait.ge [sflag:s16], $0x7D0  }
0x6c: {  	[sflag:s16] =	ssyncset.done $0x0  }
0x6d: {  	[sflag:s16] =	ssyncadd.s32 $0xFFFFF830  }
0x6e: {  	_ =	swait.ge [sflag:s16], $0x7D0  }
0x6f: {  	[sflag:s16] =	ssyncset.done $0x0  }
0x70: {  	[sflag:s16] =	ssyncadd.s32 $0xFFFFF830  }
0x71: {  	_ =	swait.ge [sflag:s16], $0x7D0  }
0x72: {  	[sflag:s16] =	ssyncset.done $0x0  }
0x73: {  	[sflag:s16] =	ssyncadd.s32 $0xFFFFF830  }
0x74: {  	_ =	swait.ge [sflag:s16], $0x7D0  }
0x75: {  	[sflag:s16] =	ssyncset.done $0x0  }
0x76: {  	[sflag:s16] =	ssyncadd.s32 $0xFFFFF830  }
0x77: {  	_ =	swait.ge [sflag:s16], $0x7D0  }
0x78: {  	[sflag:s16] =	ssyncset.done $0x0  }
0x79: {  	[sflag:s16] =	ssyncadd.s32 $0xFFFFF830  }
0x7a: {  	_ =	swait.ge [sflag:s16], $0x7D0  }
0x7b: {  	[sflag:s16] =	ssyncset.done $0x0  }
0x7c: {  	[sflag:s16] =	ssyncadd.s32 $0xFFFFF830  }
.Ltmp2:
0x7d: {  	_ =	swait.ge [sflag:s16], $0x7D0;
	(pc) =	sbr.rel @p0 .LBB2_6-.Ltmp2, $4  }
0x7e: {  	[sflag:s16] =	ssyncset.done $0x0  }
0x7f: {  	[sflag:s16] =	ssyncadd.s32 $0xFFFFF830  }
0x80: {  	_ =	swait.ge [sflag:s16], $0x7D0  }
0x81: {  	s21 =	smov.u32 s20;
	[sflag:s16] =	ssyncset.done $0x0  }
0x82: {  	s19 =	sshra.s32 s19, $0x2;
	[sflag:s16] =	ssyncadd.s32 $0xFFFFF830  }
0x83: {  	[spmem:s2] =	stream.indirect.scatter.add.f32 [tilespmem:s15], [sflag:$0x1], $0x10, s19, s14, $0xb8;
	[tilespmem:$0xD000] =	vst v63  }
0x84: {  	s20 =	sadd.s32 $0x80, s19  }
0x85: {  	[spmem:s2] =	stream.indirect.scatter.add.f32 [tilespmem:s15], [sflag:$0x1], $0x10, s20, s14, $0xb8;
	[tilespmem:$0xD000] =	vst v63  }
0x86: {  	s26 =	sadd.s32 $0x100, s19  }
0x87: {  	[spmem:s2] =	stream.indirect.scatter.add.f32 [tilespmem:s15], [sflag:$0x1], $0x10, s26, s14, $0xb8;
	[tilespmem:$0xD000] =	vst v63  }
0x88: {  	s28 =	sadd.s32 $0x180, s19  }
0x89: {  	[spmem:s2] =	stream.indirect.scatter.add.f32 [tilespmem:s15], [sflag:$0x1], $0x10, s28, s14, $0xb8;
	[tilespmem:$0xD000] =	vst v63  }
0x8a: {  	s29 =	sadd.s32 $0x200, s19  }
0x8b: {  	[spmem:s2] =	stream.indirect.scatter.add.f32 [tilespmem:s15], [sflag:$0x1], $0x10, s29, s14, $0xb8;
	[tilespmem:$0xD000] =	vst v63  }
0x8c: {  	s30 =	sadd.s32 $0x280, s19  }
0x8d: {  	[spmem:s2] =	stream.indirect.scatter.add.f32 [tilespmem:s15], [sflag:$0x1], $0x10, s30, s14, $0xb8;
	[tilespmem:$0xD000] =	vst v63  }
0x8e: {  	s31 =	sadd.s32 $0x300, s19  }
0x8f: {  	[spmem:s2] =	stream.indirect.scatter.add.f32 [tilespmem:s15], [sflag:$0x1], $0x10, s31, s14, $0xb8;
	[tilespmem:$0xD000] =	vst v63  }
0x90: {  	s19 =	sadd.s32 $0x380, s19  }
0x91: {  	[spmem:s2] =	stream.indirect.scatter.add.f32 [tilespmem:s15], [sflag:$0x1], $0x10, s19, s14, $0xb8;
	[tilespmem:$0xD000] =	vst v63  }
0x92: {  	_ =	swait.ge [sflag:s16], $0x7D0  }
0x93: {  	[sflag:s16] =	ssyncset.done $0x0  }
0x94: {  	[sflag:s16] =	ssyncadd.s32 $0xFFFFF830  }
0x95: {  	_ =	swait.ge [sflag:s16], $0x7D0  }
0x96: {  	[sflag:s16] =	ssyncset.done $0x0  }
0x97: {  	[sflag:s16] =	ssyncadd.s32 $0xFFFFF830  }
0x98: {  	_ =	swait.ge [sflag:s16], $0x7D0  }
0x99: {  	[sflag:s16] =	ssyncset.done $0x0  }
0x9a: {  	[sflag:s16] =	ssyncadd.s32 $0xFFFFF830  }
0x9b: {  	_ =	swait.ge [sflag:s16], $0x7D0  }
0x9c: {  	[sflag:s16] =	ssyncset.done $0x0  }
0x9d: {  	[sflag:s16] =	ssyncadd.s32 $0xFFFFF830  }
0x9e: {  	_ =	swait.ge [sflag:s16], $0x7D0  }
0x9f: {  	[sflag:s16] =	ssyncset.done $0x0  }
0xa0: {  	[sflag:s16] =	ssyncadd.s32 $0xFFFFF830  }
0xa1: {  	_ =	swait.ge [sflag:s16], $0x7D0  }
0xa2: {  	[sflag:s16] =	ssyncset.done $0x0  }
0xa3: {  	[sflag:s16] =	ssyncadd.s32 $0xFFFFF830  }
0xa4: {  	_ =	swait.ge [sflag:s16], $0x7D0  }
0xa5: {  	[sflag:s16] =	ssyncset.done $0x0  }
0xa6: {  	[sflag:s16] =	ssyncadd.s32 $0xFFFFF830  }
0xa7: {  	_ =	swait.ge [sflag:s16], $0x7D0  }
0xa8: {  	s3 =	sadd.s32 $0x1, s3;
	[sflag:s16] =	ssyncset.done $0x0  }
0xa9: {  	p0 =	sne.s32 s3, s7;
	[sflag:s16] =	ssyncadd.s32 $0xFFFFF830  }
.Ltmp3:
0xaa: {  	[bflag:$0x0] =	sbarrier.arrive $0xFFFF;
	(pc) =	sbr.rel @p0 .LBB2_1-.Ltmp3, $4  }
0xab: {  	[hbm:s6], [sflag:s17] =	dma.local [spmem:s18], $0x2800  }
0xac: {  	_ =	swait.ge [sflag:s13], $0x2800  }
0xad: {  	[sflag:s13] =	ssyncset.done $0x0  }
0xae: {  	[sflag:s13] =	ssyncadd.s32 $0xFFFFD800  }
0xaf: {  	_ =	sfence.sel $0x180000  }
0xb0: {  	[bflag:$0x0] =	sbarrier.arrive $0xFFFF  }
0xb1: {  	p0 =	sne.s32 s0, $0x0;
	_ =	strace $0x90000047  }
0xb2: {  	s0 =	sadd.s32 @!p0 $0x100000, s1;
	[bflag:$0x2] =	sbarrier.arrive $0xFFFF  }
0xb3: {  	[sflag:s0] =	ssyncadd.tile.s32 @!p0 $0x1;
	_ =	shalt  }
.Lfunc_end2:
_tile_overlayer_lowered:
.L_overlay_start_2:
0xb4: {  	(tag) =	ssettag $0x2  }
0xb5: {  	s0 =	rddreg [dreg:$0x0];
	s2 =	stileid.u32  }
0xb6: {  	s1 =	rddreg [dreg:$0x1];
	p0 =	sne.s32 s2, $0x0  }
0xb7: {  	s3 =	rddreg [dreg:$0x2];
	[bflag:$0x3] =	sbarrier.arrive $0xFFFF;
	s2 =	simm.s32 @!p0 $0x1C02  }
0xb8: {  	[timem:s3], [sflag:s2] =	dma.local @!p0 [hbm:s0], s1  }
0xb9: {  	s0 =	simm.s32 @!p0 $0x2  }
0xba: {  	_ =	swait.ge @!p0 [sflag:s0], s1  }
0xbb: {  	s1 =	ssub.s32 @!p0 $0x0, s1;
	[sflag:s0] =	ssyncset.done @!p0 $0x0  }
0xbc: {  	[sflag:s0] =	ssyncadd.s32 @!p0 s1  }
0xbd: {  	[bflag:$0x3] =	sbarrier.arrive $0xFFFF  }
0xbe: {  	_ =	shalt  }

// kernel: kernel.9.cloned.1.call-start
scs
__scs_entry_jumppad:
0x0: {  	(pc) =	sbr.rel $0x88, $3  }
0x1: {  	(tag) =	ssettag $0x0;
	lr =	simm.s32 $0x1  }
0x2: {  	[smem:$0x3F9C] =	sst lr;
	_ =	strace $0xD0000000  }
0x3: {  	_ = 	snop  }
0x4: {  	_ = 	snop  }
0x5: {  	_ = 	snop  }
0x6: {  	_ = 	snop  }
0x7: {  	_ = 	snop  }
__scs_overlays_trampoline_lowered:
0x8: {  	[smem:$0x3FAB] =	sst s0  }
0x9: {  	[smem:$0x3FAC] =	sst s1  }
0xa: {  	[smem:$0x3FAD] =	sst s2  }
0xb: {  	[smem:$0x3FAE] =	sst s3  }
0xc: {  	[smem:$0x3FAF] =	sst s4  }
0xd: {  	[smem:$0x3FB0] =	sst s5  }
0xe: {  	[smem:$0x3FB1] =	sst s6  }
0xf: {  	[smem:$0x3FB2] =	sst s7  }
0x10: {  	[smem:$0x3FB3] =	sst s8  }
0x11: {  	[smem:$0x3FB4] =	sst s9;
	s0 =	simm.s32 @!p0 $0x0  }
0x12: {  	s1 =	sld [smem:$0x3F9A];
	s0 =	simm.s32 @p0 $0x1  }
0x13: {  	[smem:$0x3FB5] =	sst s0;
	s0 =	simm.s32 @!p1 $0x0  }
0x14: {  	s2 =	sld [smem:$0x3F99];
	s0 =	simm.s32 @p1 $0x1  }
0x15: {  	[smem:$0x3FB6] =	sst s0;
	s0 =	simm.s32 @!p2 $0x0  }
0x16: {  	s3 =	sld [smem:$0x3FDB];
	s0 =	simm.s32 @p2 $0x1  }
0x17: {  	s4 =	simm.s32 $0x1BF5;
	[smem:$0x3FB8] =	sst s0  }
0x18: {  	s0 =	sld [smem:$0x3F9B];
	_ =	swait.ge [sflag:s4], $0x0  }
0x19: {  	s7 =	sld [smem:$0x3F9C]  }
0x1a: {  	s8 =	sadd.s32 $0xFFFFE003, lr  }
0x1b: {  	s9 =	sadd.s32 $0xFFFFFEF7, lr;
	s5 =	simm.s32 $0xFFFFFFFF;
	p2 =	slt.u32 s8, $0xFFFFF086  }
0x1c: {  	p1 =	slt.u32 s9, $0xF7A;
	s5 =	simm.s32 @!p2 $0x0  }
0x1d: {  	s5 =	simm.s32 @p1 $0x1;
	p0 =	seq.s32 s7, s2  }
0x1e: {  	s7 =	smul.u32 @!p0 $0xF7A, s2;
	p2 =	seq.s32 @!p0 s5, $0x0  }
0x1f: {  	s9 =	smul.u32 $0xF7A, s1;
	s8 =	simm.s32 @!p0 $0x1BF5;
	p2 =	por !p2, p0  }
0x20: {  	[sflag:s8] =	ssyncset.s32 @!p0 $0xFFFFF086;
	s6 =	sadd.s32 @!p0 s3, s7;
	s7 =	simm.s32 @!p0 $0x108  }
0x21: {  	s3 =	sadd.s32 s3, s9;
	s6 =	sadd.s32 @!p0 $0x88, s6;
	s7 =	simm.s32 @p2 $0x1082  }
0x22: {  	[simem:s7], [sflag:s8] =	dma.local @!p0 [hbm:s6], $0xF7A  }
0x23: {  	s9 =	sor.u32 $0xD0000000, s2;
	s6 =	simm.s32 $0x108;
	_ =	swait.ge @!p0 [sflag:s8], $0x0  }
0x24: {  	s3 =	sadd.s32 $0x88, s3;
	s6 =	simm.s32 @!p1 $0x1082;
	[sflag:s4] =	ssyncset.s32 $0xFFFFF086  }
0x25: {  	[simem:s6], [sflag:s4] =	dma.local [hbm:s3], $0xF7A  }
0x26: {  	[smem:$0x3F9C] =	sst s1;
	(tag) =	ssettag s2;
	_ =	strace s9  }
0x27: {  	s1 =	sld [smem:$0x3FAC]  }
0x28: {  	s2 =	sld [smem:$0x3FAD]  }
0x29: {  	s4 =	sld [smem:$0x3FAF]  }
0x2a: {  	p0 =	seq.s32 s5, $0x0;
	s5 =	sld [smem:$0x3FB0]  }
0x2b: {  	s6 =	sld [smem:$0x3FB1]  }
0x2c: {  	s7 =	sld [smem:$0x3FB2]  }
0x2d: {  	s3 =	simm.s32 $0x108;
	s8 =	sld [smem:$0x3FB3]  }
0x2e: {  	s3 =	simm.s32 @!p0 $0x1082;
	s9 =	sld [smem:$0x3FB4]  }
0x2f: {  	lr =	sadd.s32 s0, s3;
	s0 =	sld [smem:$0x3FAB]  }
0x30: {  	s3 =	sld [smem:$0x3FAE]  }
0x31: {  	[smem:$0x3FB7] =	sst s10  }
0x32: {  	s10 =	sld [smem:$0x3FB5];
	_ =	sdelay $0x3  }
0x33: {  	p0 =	seq.s32 s10, $0x1;
	s10 =	sld [smem:$0x3FB7];
	_ =	sdelay $0x3  }
0x34: {  	[smem:$0x3FB7] =	sst s10  }
0x35: {  	s10 =	sld [smem:$0x3FB6];
	_ =	sdelay $0x3  }
0x36: {  	p1 =	seq.s32 s10, $0x1;
	s10 =	sld [smem:$0x3FB7];
	_ =	sdelay $0x3  }
0x37: {  	[smem:$0x3FB7] =	sst s10  }
0x38: {  	s10 =	sld [smem:$0x3FB8]  }
0x39: {  	_ = 	snop;
	(pc) =	sbr.ind lr, $3  }
0x3a: {  	_ = 	snop  }
0x3b: {  	_ = 	snop  }
0x3c: {  	p2 =	seq.s32 s10, $0x1;
	s10 =	sld [smem:$0x3FB7]  }
0x3d: {  	_ =	shalt  }
0x3e: {  	_ =	shalt  }
0x3f: {  	_ =	shalt  }
0x40: {  	_ =	shalt  }
0x41: {  	_ =	shalt  }
0x42: {  	_ =	shalt  }
0x43: {  	_ =	shalt  }
0x44: {  	_ =	shalt  }
0x45: {  	_ =	shalt  }
0x46: {  	_ =	shalt  }
0x47: {  	_ =	shalt  }
0x48: {  	_ =	shalt  }
0x49: {  	_ =	shalt  }
0x4a: {  	_ =	shalt  }
0x4b: {  	_ =	shalt  }
0x4c: {  	_ =	shalt  }
0x4d: {  	_ =	shalt  }
0x4e: {  	_ =	shalt  }
0x4f: {  	_ =	shalt  }
0x50: {  	_ =	shalt  }
0x51: {  	_ =	shalt  }
0x52: {  	_ =	shalt  }
0x53: {  	_ =	shalt  }
0x54: {  	_ =	shalt  }
0x55: {  	_ =	shalt  }
0x56: {  	_ =	shalt  }
0x57: {  	_ =	shalt  }
0x58: {  	_ =	shalt  }
0x59: {  	_ =	shalt  }
0x5a: {  	_ =	shalt  }
0x5b: {  	_ =	shalt  }
0x5c: {  	_ =	shalt  }
0x5d: {  	_ =	shalt  }
0x5e: {  	_ =	shalt  }
0x5f: {  	_ =	shalt  }
0x60: {  	_ =	shalt  }
0x61: {  	_ =	shalt  }
0x62: {  	_ =	shalt  }
0x63: {  	_ =	shalt  }
0x64: {  	_ =	shalt  }
0x65: {  	_ =	shalt  }
0x66: {  	_ =	shalt  }
0x67: {  	_ =	shalt  }
0x68: {  	_ =	shalt  }
0x69: {  	_ =	shalt  }
0x6a: {  	_ =	shalt  }
0x6b: {  	_ =	shalt  }
0x6c: {  	_ =	shalt  }
0x6d: {  	_ =	shalt  }
0x6e: {  	_ =	shalt  }
0x6f: {  	_ =	shalt  }
0x70: {  	_ =	shalt  }
0x71: {  	_ =	shalt  }
0x72: {  	_ =	shalt  }
0x73: {  	_ =	shalt  }
0x74: {  	_ =	shalt  }
0x75: {  	_ =	shalt  }
0x76: {  	_ =	shalt  }
0x77: {  	_ =	shalt  }
0x78: {  	_ =	shalt  }
0x79: {  	_ =	shalt  }
0x7a: {  	_ =	shalt  }
0x7b: {  	_ =	shalt  }
0x7c: {  	_ =	shalt  }
0x7d: {  	_ =	shalt  }
0x7e: {  	_ =	shalt  }
0x7f: {  	_ =	shalt  }
0x80: {  	_ =	shalt  }
0x81: {  	_ =	shalt  }
0x82: {  	_ =	shalt  }
0x83: {  	_ =	shalt  }
0x84: {  	_ =	shalt  }
0x85: {  	_ =	shalt  }
0x86: {  	_ =	shalt  }
0x87: {  	_ =	shalt  }
.Lfunc_end0:
.L_simem_size_0:
called_computation.1_lowered:
.L_overlay_start_0:
0x88: {  	s2 =	sld [smem:$0x3FD9]  }
0x89: {  	s3 =	sld [smem:$0x3FFE];
	_ =	sdelay $0x1  }
0x8a: {  	s1 =	srdreg.scid  }
0x8b: {  	s0 =	sand.u32 $0x1, s1  }
0x8c: {  	s17 =	sshll.u32 s0, $0xA;
	s2 =	sadd.s32 s3, s2  }
0x8d: {  	s2 =	sadd.s32 s2, s17  }
0x8e: {  	[smem:$0x3FC3] =	sst s2  }
0x8f: {  	_ = 	snop  }
0x90: {  	s2 =	sld [smem:$0x3FD0];
	(tm) =	ssettm $0x1  }
0x91: {  	s18 =	sld [smem:$0x3FFB];
	_ =	sdelay $0x3  }
0x92: {  	_ =	strace s18  }
0x93: {  	s3 =	sld [smem:$0x3FFC];
	_ =	sdelay $0x3  }
0x94: {  	_ =	strace s3  }
0x95: {  	s3 =	sld [smem:$0x3FFD];
	_ =	sdelay $0x3  }
0x96: {  	_ =	strace s3  }
0x97: {  	_ =	strace $0x8FFFFFFF  }
0x98: {  	s19 =	sld [smem:$0x3FDB];
	_ =	sdelay $0x1  }
0x99: {  	s4 =	simm.s32 $_scs_section_size  }
0x9a: {  	s5 =	simm.s32 $_size__tile_overlayer_lowered;
	s6 =	simm.s32 $_tile_overlayer_lowered  }
0x9b: {  	s22 =	simm.s32 $0x1BFF;
	s21 =	sshll.u32 s6, $0x1;
	s3 =	sadd.s32 s4, s19  }
0x9c: {  	s7 =	simm.s32 $0x0;
	s20 =	sshll.u32 s5, $0x1;
	s5 =	sadd.s32 s21, s3  }
0x9d: {  	[timem:s7], [sflag:s22] =	dma.local [hbm:s5], s20  }
0x9e: {  	_ =	swait.ge [sflag:s22], s20  }
0x9f: {  	s4 =	ssub.s32 $0x0, s20;
	[sflag:s22] =	ssyncset.done $0x0  }
0xa0: {  	[sflag:s22] =	ssyncadd.s32 s4;
	_ =	sdelay $0x1  }
0xa1: {  	s23 =	simm.s32 $0x1B8B  }
0xa2: {  	_ =	swait.ge [sflag:s23], $0x1  }
0xa3: {  	[sflag:s23] =	ssyncset.done $0x0  }
0xa4: {  	s25 =	simm.s32 $0x1B8E;
	s24 =	sld [smem:$0x3FFE];
	[sflag:s23] =	ssyncadd.s32 $0xFFFFFFFF  }
0xa5: {  	s26 =	simm.s32 $execute0_lowered;
	[smem:$0x3FD2] =	sst s25  }
0xa6: {  	s5 =	sshll.u32 s26, $0x1;
	_ =	strace $0x80000049;
	[dreg:$0x1] =	wrdreg $0xFFFFFFFF  }
0xa7: {  	s28 =	simm.s32 $_size_execute0_lowered;
	s3 =	sadd.s32 s3, s5;
	[dreg:$0x0] =	wrdreg $0x0  }
0xa8: {  	s5 =	sshll.u32 s28, $0x1;
	[dreg:$0x2] =	wrdreg s3  }
0xa9: {  	[dreg:$0x3] =	wrdreg s5  }
0xaa: {  	[dreg:$0x4] =	wrdreg $0xC0  }
0xab: {  	_ =	task [dreg:s7], $0x5FFFF  }
0xac: {  	[dreg:$0x1] =	wrdreg $0xFFFFFFFF  }
0xad: {  	[dreg:$0x0] =	wrdreg $0x60  }
0xae: {  	[dreg:$0x2] =	wrdreg s2  }
0xaf: {  	[dreg:$0x3] =	wrdreg s24  }
0xb0: {  	[dreg:$0x4] =	wrdreg $0xB8000  }
0xb1: {  	[dreg:$0x5] =	wrdreg $0x9  }
0xb2: {  	_ =	task.clear_ibuf [dreg:s7], $0x6FFFF;
	_ =	strace $0x90000049  }
0xb3: {  	s29 =	simm.s32 $0x9;
	_ =	strace $0x8000004B  }
0xb4: {  	_ =	swait.ge [sflag:s29], $0x1  }
0xb5: {  	[sflag:s29] =	ssyncadd.s32 $0xFFFFFFFF  }
0xb6: {  	_ =	strace $0x9000004B  }
0xb7: {  	_ =	sfence  }
0xb8: {  	s30 =	sld [smem:$0x0];
	_ =	sdelay $0x2  }
0xb9: {  	s31 =	sshll.u32 s1, $0xD;
	s1 =	sshrl.u32 s1, $0x2  }
0xba: {  	s3 =	sand.u32 $0x4000, s31;
	s1 =	sadd.s32 s1, s30  }
0xbb: {  	s0 =	sor.u32 s3, s0;
	s1 =	sshll.u32 s1, $0x11  }
0xbc: {  	s0 =	sor.u32 s1, s0  }
0xbd: {  	s0 =	sadd.s32 $0x8F2B, s0  }
0xbe: {  	[sflag:s0] =	ssyncadd.remote.s32 $0x1  }
0xbf: {  	_ =	sfence.sel $0xFFFF  }
0xc0: {  	[dreg:$0x0] =	wrdreg $0xFFFFFFFF;
	(pc) =	sbr.abs _section_cstart, $3  }
0xc1: {  	[dreg:$0x1] =	wrdreg $0xFFFFFFFF  }
0xc2: {  	_ =	task.clear_ibuf [dreg:s7], $0x2FFFF;
	_ =	strace $0x9FFFFFFF  }
0xc3: {  	(tm) =	ssettm $0x7FFFFFFF  }
tec
execute0_lowered:
.L_overlay_start_1:
0x0: {  	(tag) =	ssettag $0x1  }
0x1: {  	s0 =	rddreg [dreg:$0x0]  }
0x2: {  	s1 =	rddreg [dreg:$0x1];
	s2 =	srdreg.scid  }
0x3: {  	s3 =	rddreg [dreg:$0x2];
	s10 =	stileid.u32;
	s4 =	simm.s32 $0x0  }
0x4: {  	s11 =	simm.s32 $0x1;
	s12 =	simm.s32 $0x2;
	s6 =	smul.u32 $0x14000, s10  }
0x5: {  	s2 =	sand.u32 $0x1, s2;
	[smem:$0x7FF] =	sst s4;
	s7 =	smul.u32 $0x50000, s10  }
0x6: {  	s13 =	sadd.s32 $0x5B600, s1;
	s8 =	sadd.s32 $0x1600, s1;
	s5 =	smul.u32 $0x140000, s2  }
0x7: {  	_ =	strace $0x8000004A;
	s14 =	ssub.s32 $0x2, s2;
	s2 =	sshll.u32 s2, $0x4  }
0x8: {  	s9 =	sshrl.u32 s14, $0x1;
	s7 =	sshrl.u32 s7, $0x2;
	s5 =	sadd.s32 s6, s5  }
0x9: {  	s2 =	sor.u32 s10, s2;
	s9 =	ssub.s32 s14, s9;
	s5 =	sshrl.u32 s5, $0x3  }
0xa: {  	s10 =	simm.s32 $0x6800;
	s15 =	smax.u32 s9, $0x1;
	s1 =	sadd.s32 s5, s1  }
0xb: {  	s5 =	sadd.s32 s7, s3;
	[dreg:$0x5] =	wrdreg s15;
	s1 =	sadd.s32 $0x65600, s1  }
0xc: {  	s2 =	smul.u32 $0x2800, s2;
	s16 =	sadd.s32 $0x1000, s5;
	[dreg:$0x4] =	wrdreg s1  }
0xd: {  	s6 =	simm.s32 $0x1400;
	s17 =	sadd.s32 $0x2000, s5;
	[dreg:$0x6] =	wrdreg s16  }
0xe: {  	s14 =	simm.s32 $0x2780;
	s18 =	sadd.s32 $0x3000, s5;
	[dreg:$0x7] =	wrdreg s17  }
0xf: {  	s9 =	simm.s32 $0x80;
	s19 =	sadd.s32 $0x4000, s5;
	[dreg:$0x8] =	wrdreg s18  }
0x10: {  	s26 =	sshrl.u32 s2, $0x3;
	s20 =	sadd.s32 $0x5000, s5;
	[dreg:$0x9] =	wrdreg s19  }
0x11: {  	s7 =	simm.s32 $0x7D;
	s21 =	sadd.s32 $0x6000, s5;
	[dreg:$0xa] =	wrdreg s20  }
0x12: {  	s22 =	sadd.s32 $0x7000, s5;
	s23 =	sadd.s32 $0x8000, s5;
	[dreg:$0xb] =	wrdreg s21  }
0x13: {  	s24 =	sadd.s32 $0x9000, s5;
	s25 =	sadd.s32 $0xA000, s5;
	[dreg:$0xc] =	wrdreg s22  }
0x14: {  	s2 =	sadd.s32 $0x280, s26;
	s28 =	sadd.s32 $0x10000, s5;
	[dreg:$0xd] =	wrdreg s23  }
0x15: {  	s29 =	sadd.s32 $0x11000, s5;
	s30 =	sadd.s32 $0x12000, s5;
	[dreg:$0xe] =	wrdreg s24  }
0x16: {  	s31 =	sadd.s32 $0x13000, s5;
	[dreg:$0xf] =	wrdreg s25;
	s18 =	sadd.s32 $0xB000, s5  }
0x17: {  	s19 =	sadd.s32 $0xC000, s5;
	s20 =	sadd.s32 $0xD000, s5;
	s21 =	sadd.s32 s13, s26  }
0x18: {  	s22 =	sadd.s32 s8, s26;
	s23 =	sadd.s32 s13, s2;
	s24 =	sadd.s32 s8, s2  }
0x19: {  	s25 =	sadd.s32 $0xE000, s5;
	s26 =	sadd.s32 $0xF000, s5;
	s1 =	simm.s32 $0xA800  }
0x1a: {  	v0 =	vimm.f32 $0.0e+00;
	s2 =	simm.s32 $0x3;
	s8 =	simm.s32 $0x2800;
	s13 =	simm.s32 $0x2700  }
.LBB2_1:
0x1b: {  	s15 =	simm.s32 $0x0;
	s16 =	simm.s32 $0x200  }
.LBB2_2:
0x1c: {  	p0 =	sne.s32 s16, $0x3E00;
	[tilespmem:s15+$0xA870] =	vst v0  }
0x1d: {  	[tilespmem:s15+$0xA800] =	vst v0  }
0x1e: {  	[tilespmem:s15+$0xA810] =	vst v0  }
.Ltmp0:
0x1f: {  	[tilespmem:s15+$0xA820] =	vst v0;
	(pc) =	sbr.rel @p0 .LBB2_2-.Ltmp0, $4  }
0x20: {  	[tilespmem:s15+$0xA830] =	vst v0  }
0x21: {  	[tilespmem:s15+$0xA840] =	vst v0  }
0x22: {  	[tilespmem:s15+$0xA850] =	vst v0  }
0x23: {  	[tilespmem:s15+$0xA860] =	vst v0;
	s15 =	sshra.s32 s16, $0x2;
	s16 =	sadd.s32 $0x200, s16  }
0x24: {  	[tilespmem:s15+$0xA870] =	vst v0  }
0x25: {  	[tilespmem:s15+$0xA800] =	vst v0  }
0x26: {  	[tilespmem:s15+$0xA810] =	vst v0  }
0x27: {  	[tilespmem:s15+$0xA820] =	vst v0  }
0x28: {  	[tilespmem:s15+$0xA830] =	vst v0  }
0x29: {  	[tilespmem:s15+$0xA840] =	vst v0  }
0x2a: {  	[tilespmem:s15+$0xA850] =	vst v0  }
0x2b: {  	[tilespmem:s15+$0xA860] =	vst v0  }
0x2c: {  	[spmem:s5] =	stream.linear.scatter [tilespmem:s1], [sflag:$0x3], $0x1000, $0x38;
	[tilespmem:$0x1F800] =	vst v63  }
0x2d: {  	_ =	swait.ge [sflag:s2], $0x1000  }
0x2e: {  	[sflag:s2] =	ssyncset.done $0x0  }
0x2f: {  	s16 =	rddreg [dreg:$0x6];
	[sflag:s2] =	ssyncadd.s32 $0xFFFFF000  }
0x30: {  	[spmem:s16] =	stream.linear.scatter [tilespmem:s1], [sflag:$0x3], $0x1000, $0x38;
	[tilespmem:$0x1F800] =	vst v63  }
0x31: {  	_ =	swait.ge [sflag:s2], $0x1000  }
0x32: {  	[sflag:s2] =	ssyncset.done $0x0  }
0x33: {  	s17 =	rddreg [dreg:$0x7];
	[sflag:s2] =	ssyncadd.s32 $0xFFFFF000  }
0x34: {  	[spmem:s17] =	stream.linear.scatter [tilespmem:s1], [sflag:$0x3], $0x1000, $0x38;
	[tilespmem:$0x1F800] =	vst v63  }
0x35: {  	_ =	swait.ge [sflag:s2], $0x1000  }
0x36: {  	[sflag:s2] =	ssyncset.done $0x0  }
0x37: {  	s16 =	rddreg [dreg:$0x8];
	[sflag:s2] =	ssyncadd.s32 $0xFFFFF000  }
0x38: {  	[spmem:s16] =	stream.linear.scatter [tilespmem:s1], [sflag:$0x3], $0x1000, $0x38;
	[tilespmem:$0x1F800] =	vst v63  }
0x39: {  	_ =	swait.ge [sflag:s2], $0x1000  }
0x3a: {  	[sflag:s2] =	ssyncset.done $0x0  }
0x3b: {  	s17 =	rddreg [dreg:$0x9];
	[sflag:s2] =	ssyncadd.s32 $0xFFFFF000  }
0x3c: {  	[spmem:s17] =	stream.linear.scatter [tilespmem:s1], [sflag:$0x3], $0x1000, $0x38;
	[tilespmem:$0x1F800] =	vst v63  }
0x3d: {  	_ =	swait.ge [sflag:s2], $0x1000  }
0x3e: {  	[sflag:s2] =	ssyncset.done $0x0  }
0x3f: {  	s16 =	rddreg [dreg:$0xa];
	[sflag:s2] =	ssyncadd.s32 $0xFFFFF000  }
0x40: {  	[spmem:s16] =	stream.linear.scatter [tilespmem:s1], [sflag:$0x3], $0x1000, $0x38;
	[tilespmem:$0x1F800] =	vst v63  }
0x41: {  	_ =	swait.ge [sflag:s2], $0x1000  }
0x42: {  	[sflag:s2] =	ssyncset.done $0x0  }
0x43: {  	s17 =	rddreg [dreg:$0xb];
	[sflag:s2] =	ssyncadd.s32 $0xFFFFF000  }
0x44: {  	[spmem:s17] =	stream.linear.scatter [tilespmem:s1], [sflag:$0x3], $0x1000, $0x38;
	[tilespmem:$0x1F800] =	vst v63  }
0x45: {  	_ =	swait.ge [sflag:s2], $0x1000  }
0x46: {  	[sflag:s2] =	ssyncset.done $0x0  }
0x47: {  	s16 =	rddreg [dreg:$0xc];
	[sflag:s2] =	ssyncadd.s32 $0xFFFFF000  }
0x48: {  	[spmem:s16] =	stream.linear.scatter [tilespmem:s1], [sflag:$0x3], $0x1000, $0x38;
	[tilespmem:$0x1F800] =	vst v63  }
0x49: {  	_ =	swait.ge [sflag:s2], $0x1000  }
0x4a: {  	[sflag:s2] =	ssyncset.done $0x0  }
0x4b: {  	s17 =	rddreg [dreg:$0xd];
	[sflag:s2] =	ssyncadd.s32 $0xFFFFF000  }
0x4c: {  	[spmem:s17] =	stream.linear.scatter [tilespmem:s1], [sflag:$0x3], $0x1000, $0x38;
	[tilespmem:$0x1F800] =	vst v63  }
0x4d: {  	_ =	swait.ge [sflag:s2], $0x1000  }
0x4e: {  	[sflag:s2] =	ssyncset.done $0x0  }
0x4f: {  	s16 =	rddreg [dreg:$0xe];
	[sflag:s2] =	ssyncadd.s32 $0xFFFFF000  }
0x50: {  	[spmem:s16] =	stream.linear.scatter [tilespmem:s1], [sflag:$0x3], $0x1000, $0x38;
	[tilespmem:$0x1F800] =	vst v63  }
0x51: {  	_ =	swait.ge [sflag:s2], $0x1000  }
0x52: {  	[sflag:s2] =	ssyncset.done $0x0  }
0x53: {  	s17 =	rddreg [dreg:$0xf];
	[sflag:s2] =	ssyncadd.s32 $0xFFFFF000  }
0x54: {  	[spmem:s17] =	stream.linear.scatter [tilespmem:s1], [sflag:$0x3], $0x1000, $0x38;
	[tilespmem:$0x1F800] =	vst v63  }
0x55: {  	_ =	swait.ge [sflag:s2], $0x1000  }
0x56: {  	[sflag:s2] =	ssyncset.done $0x0  }
0x57: {  	[sflag:s2] =	ssyncadd.s32 $0xFFFFF000  }
0x58: {  	[spmem:s18] =	stream.linear.scatter [tilespmem:s1], [sflag:$0x3], $0x1000, $0x38;
	[tilespmem:$0x1F800] =	vst v63  }
0x59: {  	_ =	swait.ge [sflag:s2], $0x1000  }
0x5a: {  	[sflag:s2] =	ssyncset.done $0x0  }
0x5b: {  	[sflag:s2] =	ssyncadd.s32 $0xFFFFF000  }
0x5c: {  	[spmem:s19] =	stream.linear.scatter [tilespmem:s1], [sflag:$0x3], $0x1000, $0x38;
	[tilespmem:$0x1F800] =	vst v63  }
0x5d: {  	_ =	swait.ge [sflag:s2], $0x1000  }
0x5e: {  	[sflag:s2] =	ssyncset.done $0x0  }
0x5f: {  	[sflag:s2] =	ssyncadd.s32 $0xFFFFF000  }
0x60: {  	[spmem:s20] =	stream.linear.scatter [tilespmem:s1], [sflag:$0x3], $0x1000, $0x38;
	[tilespmem:$0x1F800] =	vst v63  }
0x61: {  	_ =	swait.ge [sflag:s2], $0x1000  }
0x62: {  	[sflag:s2] =	ssyncset.done $0x0  }
0x63: {  	[sflag:s2] =	ssyncadd.s32 $0xFFFFF000  }
0x64: {  	[spmem:s25] =	stream.linear.scatter [tilespmem:s1], [sflag:$0x3], $0x1000, $0x38;
	[tilespmem:$0x1F800] =	vst v63  }
0x65: {  	_ =	swait.ge [sflag:s2], $0x1000  }
0x66: {  	[sflag:s2] =	ssyncset.done $0x0  }
0x67: {  	[sflag:s2] =	ssyncadd.s32 $0xFFFFF000  }
0x68: {  	[spmem:s26] =	stream.linear.scatter [tilespmem:s1], [sflag:$0x3], $0x1000, $0x38;
	[tilespmem:$0x1F800] =	vst v63  }
0x69: {  	_ =	swait.ge [sflag:s2], $0x1000  }
0x6a: {  	[sflag:s2] =	ssyncset.done $0x0  }
0x6b: {  	[sflag:s2] =	ssyncadd.s32 $0xFFFFF000  }
0x6c: {  	[spmem:s28] =	stream.linear.scatter [tilespmem:s1], [sflag:$0x3], $0x1000, $0x38;
	[tilespmem:$0x1F800] =	vst v63  }
0x6d: {  	_ =	swait.ge [sflag:s2], $0x1000  }
0x6e: {  	[sflag:s2] =	ssyncset.done $0x0  }
0x6f: {  	[sflag:s2] =	ssyncadd.s32 $0xFFFFF000  }
0x70: {  	[spmem:s29] =	stream.linear.scatter [tilespmem:s1], [sflag:$0x3], $0x1000, $0x38;
	[tilespmem:$0x1F800] =	vst v63  }
0x71: {  	_ =	swait.ge [sflag:s2], $0x1000  }
0x72: {  	[sflag:s2] =	ssyncset.done $0x0  }
0x73: {  	[sflag:s2] =	ssyncadd.s32 $0xFFFFF000  }
0x74: {  	[spmem:s30] =	stream.linear.scatter [tilespmem:s1], [sflag:$0x3], $0x1000, $0x38;
	[tilespmem:$0x1F800] =	vst v63  }
0x75: {  	_ =	swait.ge [sflag:s2], $0x1000  }
0x76: {  	[sflag:s2] =	ssyncset.done $0x0  }
0x77: {  	[sflag:s2] =	ssyncadd.s32 $0xFFFFF000  }
0x78: {  	[spmem:s31] =	stream.linear.scatter [tilespmem:s1], [sflag:$0x3], $0x1000, $0x38;
	[tilespmem:$0x1F800] =	vst v63  }
0x79: {  	_ =	swait.ge [sflag:s2], $0x1000  }
0x7a: {  	[sflag:s2] =	ssyncset.done $0x0  }
0x7b: {  	[sflag:s2] =	ssyncadd.s32 $0xFFFFF000  }
0x7c: {  	s16 =	simm.s32 $0x0;
	[bflag:$0x0] =	sbarrier.arrive $0xFFFF  }
0x7d: {  	[tilespmem:s16], [sflag:$0x3] =	stream.linear.gather [hbm4b:s21+s16], $0x1400, $0x38;
	[tilespmem:$0x1F800] =	vst v63  }
0x7e: {  	_ =	swait.ge [sflag:s2], $0x1400  }
0x7f: {  	[sflag:s2] =	ssyncset.done $0x0  }
0x80: {  	[sflag:s2] =	ssyncadd.s32 $0xFFFFEC00  }
0x81: {  	[tilespmem:s6], [sflag:$0x3] =	stream.linear.gather [hbm4b:s22+s16], $0x1400, $0x38;
	[tilespmem:$0x1F800] =	vst v63  }
0x82: {  	_ =	swait.ge [sflag:s2], $0x1400  }
0x83: {  	[sflag:s2] =	ssyncset.done $0x0  }
0x84: {  	[sflag:s2] =	ssyncadd.s32 $0xFFFFEC00  }
0x85: {  	[tilespmem:s8], [sflag:$0x1] =	stream.indirect.gather [hbm4b:s0+s7], $0x80, s16, s7, $0xb8;
	[tilespmem:$0x1F800] =	vst v63  }
0x86: {  	_ = 	snop  }
0x87: {  	[tilespmem:s10], [sflag:$0x2] =	stream.indirect.gather [hbm4b:s0+s7], $0x80, s9, s7, $0xb8;
	[tilespmem:$0x1F800] =	vst v63  }
0x88: {  	_ =	swait.ge [sflag:s11], $0x3E80  }
0x89: {  	[sflag:s11] =	ssyncset.done $0x0  }
0x8a: {  	s17 =	simm.s32 $0x1400;
	[sflag:s11] =	ssyncadd.s32 $0xFFFFC180  }
0x8b: {  	[spmem:s3] =	stream.indirect.scatter.add.f32 [tilespmem:s8], [sflag:$0x3], $0x80, s17, s7, $0xb8;
	[tilespmem:$0x1F800] =	vst v63  }
0x8c: {  	_ =	swait.ge [sflag:s2], $0x3E80  }
0x8d: {  	[sflag:s2] =	ssyncset.done $0x0  }
0x8e: {  	s16 =	simm.s32 $0x100;
	[sflag:s2] =	ssyncadd.s32 $0xFFFFC180  }
0x8f: {  	[tilespmem:s8], [sflag:$0x1] =	stream.indirect.gather [hbm4b:s0+s7], $0x80, s16, s7, $0xb8;
	[tilespmem:$0x1F800] =	vst v63  }
0x90: {  	_ =	swait.ge [sflag:s12], $0x3E80  }
0x91: {  	[sflag:s12] =	ssyncset.done $0x0  }
0x92: {  	s17 =	simm.s32 $0x1480;
	[sflag:s12] =	ssyncadd.s32 $0xFFFFC180  }
0x93: {  	[spmem:s3] =	stream.indirect.scatter.add.f32 [tilespmem:s10], [sflag:$0x3], $0x80, s17, s7, $0xb8;
	[tilespmem:$0x1F800] =	vst v63  }
0x94: {  	_ =	swait.ge [sflag:s2], $0x3E80  }
0x95: {  	[sflag:s2] =	ssyncset.done $0x0  }
0x96: {  	s15 =	simm.s32 $0x400;
	s16 =	simm.s32 $0x180;
	[sflag:s2] =	ssyncadd.s32 $0xFFFFC180  }
.LBB2_4:
0x97: {  	[tilespmem:s10], [sflag:$0x2] =	stream.indirect.gather [hbm4b:s0+s7], $0x80, s16, s7, $0xb8;
	[tilespmem:$0x1F800] =	vst v63  }
0x98: {  	s16 =	smov.u32 s15  }
0x99: {  	p0 =	sne.s32 s15, $0x4800;
	s15 =	sadd.s32 $0x400, s15;
	_ =	swait.ge [sflag:s11], $0x3E80  }
0x9a: {  	s16 =	sshra.s32 s16, $0x2;
	[sflag:s11] =	ssyncset.done $0x0  }
0x9b: {  	s17 =	sadd.s32 $0x1400, s16;
	[sflag:s11] =	ssyncadd.s32 $0xFFFFC180  }
0x9c: {  	[spmem:s3] =	stream.indirect.scatter.add.f32 [tilespmem:s8], [sflag:$0x3], $0x80, s17, s7, $0xb8;
	[tilespmem:$0x1F800] =	vst v63  }
0x9d: {  	_ =	swait.ge [sflag:s2], $0x3E80  }
0x9e: {  	[sflag:s2] =	ssyncset.done $0x0  }
0x9f: {  	s17 =	sadd.s32 $0x100, s16;
	[sflag:s2] =	ssyncadd.s32 $0xFFFFC180  }
0xa0: {  	[tilespmem:s8], [sflag:$0x1] =	stream.indirect.gather [hbm4b:s0+s7], $0x80, s17, s7, $0xb8;
	[tilespmem:$0x1F800] =	vst v63  }
0xa1: {  	_ =	swait.ge [sflag:s12], $0x3E80  }
0xa2: {  	[sflag:s12] =	ssyncset.done $0x0  }
.Ltmp1:
0xa3: {  	s17 =	sadd.s32 $0x1480, s16;
	[sflag:s12] =	ssyncadd.s32 $0xFFFFC180;
	(pc) =	sbr.rel @p0 .LBB2_4-.Ltmp1, $4  }
0xa4: {  	[spmem:s3] =	stream.indirect.scatter.add.f32 [tilespmem:s10], [sflag:$0x3], $0x80, s17, s7, $0xb8;
	[tilespmem:$0x1F800] =	vst v63  }
0xa5: {  	_ =	swait.ge [sflag:s2], $0x3E80  }
0xa6: {  	[sflag:s2] =	ssyncset.done $0x0  }
0xa7: {  	s16 =	sadd.s32 $0x180, s16;
	[sflag:s2] =	ssyncadd.s32 $0xFFFFC180  }
0xa8: {  	[tilespmem:s10], [sflag:$0x2] =	stream.indirect.gather [hbm4b:s0+s7], $0x80, s16, s7, $0xb8;
	[tilespmem:$0x1F800] =	vst v63  }
0xa9: {  	_ =	swait.ge [sflag:s11], $0x3E80  }
0xaa: {  	[sflag:s11] =	ssyncset.done $0x0  }
0xab: {  	[sflag:s11] =	ssyncadd.s32 $0xFFFFC180  }
0xac: {  	[spmem:s3] =	stream.indirect.scatter.add.f32 [tilespmem:s8], [sflag:$0x3], $0x80, s13, s7, $0xb8;
	[tilespmem:$0x1F800] =	vst v63  }
0xad: {  	_ =	swait.ge [sflag:s2], $0x3E80  }
0xae: {  	[sflag:s2] =	ssyncset.done $0x0  }
0xaf: {  	[sflag:s2] =	ssyncadd.s32 $0xFFFFC180  }
0xb0: {  	_ =	swait.ge [sflag:s12], $0x3E80  }
0xb1: {  	[sflag:s12] =	ssyncset.done $0x0  }
0xb2: {  	[sflag:s12] =	ssyncadd.s32 $0xFFFFC180  }
0xb3: {  	[spmem:s3] =	stream.indirect.scatter.add.f32 [tilespmem:s10], [sflag:$0x3], $0x80, s14, s7, $0xb8;
	[tilespmem:$0x1F800] =	vst v63  }
0xb4: {  	_ =	swait.ge [sflag:s2], $0x3E80  }
0xb5: {  	[sflag:s2] =	ssyncset.done $0x0  }
0xb6: {  	s15 =	simm.s32 $0x0;
	[sflag:s2] =	ssyncadd.s32 $0xFFFFC180  }
0xb7: {  	[tilespmem:s15], [sflag:$0x3] =	stream.linear.gather [hbm4b:s23+s15], $0x1400, $0x38;
	[tilespmem:$0x1F800] =	vst v63  }
0xb8: {  	_ =	swait.ge [sflag:s2], $0x1400  }
0xb9: {  	[sflag:s2] =	ssyncset.done $0x0  }
0xba: {  	[sflag:s2] =	ssyncadd.s32 $0xFFFFEC00  }
0xbb: {  	[tilespmem:s6], [sflag:$0x3] =	stream.linear.gather [hbm4b:s24+s15], $0x1400, $0x38;
	[tilespmem:$0x1F800] =	vst v63  }
0xbc: {  	_ =	swait.ge [sflag:s2], $0x1400  }
0xbd: {  	[sflag:s2] =	ssyncset.done $0x0  }
0xbe: {  	[sflag:s2] =	ssyncadd.s32 $0xFFFFEC00  }
0xbf: {  	[tilespmem:s8], [sflag:$0x1] =	stream.indirect.gather [hbm4b:s0+s7], $0x80, s15, s7, $0xb8;
	[tilespmem:$0x1F800] =	vst v63  }
0xc0: {  	_ = 	snop  }
0xc1: {  	[tilespmem:s10], [sflag:$0x2] =	stream.indirect.gather [hbm4b:s0+s7], $0x80, s9, s7, $0xb8;
	[tilespmem:$0x1F800] =	vst v63  }
0xc2: {  	_ =	swait.ge [sflag:s11], $0x3E80  }
0xc3: {  	[sflag:s11] =	ssyncset.done $0x0  }
0xc4: {  	s17 =	simm.s32 $0x1400;
	[sflag:s11] =	ssyncadd.s32 $0xFFFFC180  }
0xc5: {  	[spmem:s3] =	stream.indirect.scatter.add.f32 [tilespmem:s8], [sflag:$0x3], $0x80, s17, s7, $0xb8;
	[tilespmem:$0x1F800] =	vst v63  }
0xc6: {  	_ =	swait.ge [sflag:s2], $0x3E80  }
0xc7: {  	[sflag:s2] =	ssyncset.done $0x0  }
0xc8: {  	s16 =	simm.s32 $0x100;
	[sflag:s2] =	ssyncadd.s32 $0xFFFFC180  }
0xc9: {  	[tilespmem:s8], [sflag:$0x1] =	stream.indirect.gather [hbm4b:s0+s7], $0x80, s16, s7, $0xb8;
	[tilespmem:$0x1F800] =	vst v63  }
0xca: {  	_ =	swait.ge [sflag:s12], $0x3E80  }
0xcb: {  	[sflag:s12] =	ssyncset.done $0x0  }
0xcc: {  	s17 =	simm.s32 $0x1480;
	[sflag:s12] =	ssyncadd.s32 $0xFFFFC180  }
0xcd: {  	[spmem:s3] =	stream.indirect.scatter.add.f32 [tilespmem:s10], [sflag:$0x3], $0x80, s17, s7, $0xb8;
	[tilespmem:$0x1F800] =	vst v63  }
0xce: {  	_ =	swait.ge [sflag:s2], $0x3E80  }
0xcf: {  	[sflag:s2] =	ssyncset.done $0x0  }
0xd0: {  	s15 =	simm.s32 $0x400;
	s16 =	simm.s32 $0x180;
	[sflag:s2] =	ssyncadd.s32 $0xFFFFC180  }
.LBB2_6:
0xd1: {  	[tilespmem:s10], [sflag:$0x2] =	stream.indirect.gather [hbm4b:s0+s7], $0x80, s16, s7, $0xb8;
	[tilespmem:$0x1F800] =	vst v63  }
0xd2: {  	s16 =	smov.u32 s15  }
0xd3: {  	p0 =	sne.s32 s15, $0x4800;
	s15 =	sadd.s32 $0x400, s15;
	_ =	swait.ge [sflag:s11], $0x3E80  }
0xd4: {  	s16 =	sshra.s32 s16, $0x2;
	[sflag:s11] =	ssyncset.done $0x0  }
0xd5: {  	s17 =	sadd.s32 $0x1400, s16;
	[sflag:s11] =	ssyncadd.s32 $0xFFFFC180  }
0xd6: {  	[spmem:s3] =	stream.indirect.scatter.add.f32 [tilespmem:s8], [sflag:$0x3], $0x80, s17, s7, $0xb8;
	[tilespmem:$0x1F800] =	vst v63  }
0xd7: {  	_ =	swait.ge [sflag:s2], $0x3E80  }
0xd8: {  	[sflag:s2] =	ssyncset.done $0x0  }
0xd9: {  	s17 =	sadd.s32 $0x100, s16;
	[sflag:s2] =	ssyncadd.s32 $0xFFFFC180  }
0xda: {  	[tilespmem:s8], [sflag:$0x1] =	stream.indirect.gather [hbm4b:s0+s7], $0x80, s17, s7, $0xb8;
	[tilespmem:$0x1F800] =	vst v63  }
0xdb: {  	_ =	swait.ge [sflag:s12], $0x3E80  }
0xdc: {  	[sflag:s12] =	ssyncset.done $0x0  }
.Ltmp2:
0xdd: {  	s17 =	sadd.s32 $0x1480, s16;
	[sflag:s12] =	ssyncadd.s32 $0xFFFFC180;
	(pc) =	sbr.rel @p0 .LBB2_6-.Ltmp2, $4  }
0xde: {  	[spmem:s3] =	stream.indirect.scatter.add.f32 [tilespmem:s10], [sflag:$0x3], $0x80, s17, s7, $0xb8;
	[tilespmem:$0x1F800] =	vst v63  }
0xdf: {  	_ =	swait.ge [sflag:s2], $0x3E80  }
0xe0: {  	[sflag:s2] =	ssyncset.done $0x0  }
0xe1: {  	s16 =	sadd.s32 $0x180, s16;
	[sflag:s2] =	ssyncadd.s32 $0xFFFFC180  }
0xe2: {  	[tilespmem:s10], [sflag:$0x2] =	stream.indirect.gather [hbm4b:s0+s7], $0x80, s16, s7, $0xb8;
	[tilespmem:$0x1F800] =	vst v63  }
0xe3: {  	_ =	swait.ge [sflag:s11], $0x3E80  }
0xe4: {  	[sflag:s11] =	ssyncset.done $0x0  }
0xe5: {  	[sflag:s11] =	ssyncadd.s32 $0xFFFFC180  }
0xe6: {  	[spmem:s3] =	stream.indirect.scatter.add.f32 [tilespmem:s8], [sflag:$0x3], $0x80, s13, s7, $0xb8;
	[tilespmem:$0x1F800] =	vst v63  }
0xe7: {  	_ =	swait.ge [sflag:s2], $0x3E80  }
0xe8: {  	[sflag:s2] =	ssyncset.done $0x0  }
0xe9: {  	[sflag:s2] =	ssyncadd.s32 $0xFFFFC180  }
0xea: {  	_ =	swait.ge [sflag:s12], $0x3E80  }
0xeb: {  	[sflag:s12] =	ssyncset.done $0x0  }
0xec: {  	[sflag:s12] =	ssyncadd.s32 $0xFFFFC180  }
0xed: {  	[spmem:s3] =	stream.indirect.scatter.add.f32 [tilespmem:s10], [sflag:$0x3], $0x80, s14, s7, $0xb8;
	[tilespmem:$0x1F800] =	vst v63  }
0xee: {  	_ =	swait.ge [sflag:s2], $0x3E80  }
0xef: {  	[sflag:s2] =	ssyncset.done $0x0  }
0xf0: {  	s15 =	stileid.u32;
	[sflag:s2] =	ssyncadd.s32 $0xFFFFC180  }
0xf1: {  	s15 =	sshll.u32 s15, $0x6;
	[bflag:$0x0] =	sbarrier.arrive $0xFFFF  }
0xf2: {  	s16 =	sshrl.u32 s5, $0x3;
	s15 =	sor.u32 $0x1C03, s15;
	s17 =	rddreg [dreg:$0x4]  }
0xf3: {  	[hbm:s17], [sflag:s15] =	dma.local [spmem:s16], $0x2800  }
0xf4: {  	_ =	swait.ge [sflag:s2], $0x2800  }
0xf5: {  	s4 =	sadd.s32 $0x1, s4;
	s17 =	rddreg [dreg:$0x5]  }
0xf6: {  	p0 =	sne.s32 s4, s17  }
.Ltmp3:
0xf7: {  	_ = 	snop;
	(pc) =	sbr.rel @p0 .LBB2_1-.Ltmp3, $3  }
0xf8: {  	_ =	sdelay $0x1  }
0xf9: {  	[sflag:s2] =	ssyncset.done $0x0  }
0xfa: {  	[sflag:s2] =	ssyncadd.s32 $0xFFFFD800  }
0xfb: {  	_ =	sfence.sel $0x180000  }
0xfc: {  	[bflag:$0x0] =	sbarrier.arrive $0xFFFF  }
0xfd: {  	_ =	strace $0x9000004A  }
0xfe: {  	s0 =	stileid.u32;
	[bflag:$0x2] =	sbarrier.arrive $0xFFFF  }
0xff: {  	p0 =	sne.s32 s0, $0x0;
	s0 =	rddreg [dreg:$0x3]  }
0x100: {  	s0 =	sadd.s32 @!p0 $0x100000, s0  }
0x101: {  	[sflag:s0] =	ssyncadd.tile.s32 @!p0 $0x1;
	_ =	shalt  }
.Lfunc_end2:
_tile_overlayer_lowered:
.L_overlay_start_2:
0x102: {  	(tag) =	ssettag $0x2  }
0x103: {  	s0 =	rddreg [dreg:$0x0];
	s2 =	stileid.u32  }
0x104: {  	s1 =	rddreg [dreg:$0x1];
	p0 =	sne.s32 s2, $0x0  }
0x105: {  	s3 =	rddreg [dreg:$0x2];
	[bflag:$0x3] =	sbarrier.arrive $0xFFFF;
	s2 =	simm.s32 @!p0 $0x1C03  }
0x106: {  	[timem:s3], [sflag:s2] =	dma.local @!p0 [hbm:s0], s1  }
0x107: {  	s0 =	simm.s32 @!p0 $0x3  }
0x108: {  	_ =	swait.ge @!p0 [sflag:s0], s1  }
0x109: {  	s1 =	ssub.s32 @!p0 $0x0, s1;
	[sflag:s0] =	ssyncset.done @!p0 $0x0  }
0x10a: {  	[sflag:s0] =	ssyncadd.s32 @!p0 s1  }
0x10b: {  	[bflag:$0x3] =	sbarrier.arrive $0xFFFF  }
0x10c: {  	_ =	shalt  }

</sc_bundles>
